<compile_context>
chip_gen: v7x
topology: tpu7x:2x2x1
jax: 0.10.2.dev20260603
libtpu: 0.0.44.dev20260713+nightly
codegen_flags: <defaults>
</compile_context>

<pallas_src>
import functools

import jax
import jax.numpy as jnp
from jax import lax
from jax.experimental import pallas as pl
from jax.experimental.pallas import tpu as pltpu
from jax.experimental.pallas import tpu_sc as plsc

NUM_TOKENS_C = 16384
CODE_DIM_C = 256
NUM_EMB_C = 8192

TOK_BLOCK = 256
COL_CHUNK = 4096
SC_CHUNK = 128


def _argmin_body(ah_ref, sxn_ref, wht_ref, cn2_ref, idx_ref):
    ah = ah_ref[...]
    sxn = sxn_ref[...][:, None]

    run_val = jnp.full((TOK_BLOCK, 1), jnp.inf, dtype=jnp.float32)
    run_idx = jnp.zeros((TOK_BLOCK, 1), dtype=jnp.int32)
    for j in range(NUM_EMB_C // COL_CHUNK):
        wht = wht_ref[:, pl.ds(j * COL_CHUNK, COL_CHUNK)]
        cn2 = cn2_ref[pl.ds(j * COL_CHUNK, COL_CHUNK)]
        m = lax.dot_general(
            ah, wht, (((1,), (0,)), ((), ())),
            preferred_element_type=jnp.float32,
        )
        d = (sxn + cn2[None, :]) - 2.0 * m
        dmin = jnp.min(d, axis=1, keepdims=True)
        ii = lax.broadcasted_iota(jnp.int32, (TOK_BLOCK, COL_CHUNK), 1)
        ic = jnp.min(
            jnp.where(d == dmin, ii + j * COL_CHUNK, jnp.int32(2**30)),
            axis=1, keepdims=True,
        )
        upd = dmin < run_val
        run_idx = jnp.where(upd, ic, run_idx)
        run_val = jnp.where(upd, dmin, run_val)
        run_val = run_val.astype(jnp.bfloat16).astype(jnp.float32)
    idx_ref[...] = run_idx[:, 0]


def _sc_gather(w, idx, x):
    info = plsc.get_sparse_core_info()
    nw = info.num_cores * info.num_subcores
    tok_per_w = NUM_TOKENS_C // nw
    n_chunks = tok_per_w // SC_CHUNK
    mesh = plsc.VectorSubcoreMesh(core_axis_name="c", subcore_axis_name="s")

    @functools.partial(
        pl.kernel,
        mesh=mesh,
        out_type=[
            jax.ShapeDtypeStruct((NUM_TOKENS_C, CODE_DIM_C), jnp.float32),
            jax.ShapeDtypeStruct((nw, 16), jnp.float32),
        ],
        scratch_types=[
            pltpu.VMEM((SC_CHUNK,), jnp.int32),
            pltpu.VMEM((SC_CHUNK, CODE_DIM_C), jnp.float32),
            pltpu.VMEM((SC_CHUNK, CODE_DIM_C), jnp.float32),
            pltpu.VMEM((16,), jnp.float32),
            pltpu.SemaphoreType.DMA,
        ],
    )
    def body(w_hbm, idx_hbm, x_hbm, ste_hbm, loss_hbm,
             idx_v, rows_v, x_v, acc_v, sem):
        wid = lax.axis_index("s") * info.num_cores + lax.axis_index("c")
        base = wid * tok_per_w

        def chunk_body(ch, acc):
            off = base + ch * SC_CHUNK
            pltpu.sync_copy(idx_hbm.at[pl.ds(off, SC_CHUNK)], idx_v)
            gcp = pltpu.async_copy(w_hbm.at[idx_v], rows_v, sem)
            pltpu.sync_copy(x_hbm.at[pl.ds(off, SC_CHUNK), :], x_v)
            gcp.wait()

            def row_body(i, a):
                for k in range(CODE_DIM_C // 16):
                    sl = pl.ds(k * 16, 16)
                    q = rows_v[i, sl]
                    xv = x_v[i, sl]
                    dq = q - xv
                    a = a + dq * dq
                    rows_v[i, sl] = xv + dq
                return a

            acc = lax.fori_loop(0, SC_CHUNK, row_body, acc)
            pltpu.sync_copy(rows_v, ste_hbm.at[pl.ds(off, SC_CHUNK), :])
            return acc

        acc = lax.fori_loop(
            0, n_chunks, chunk_body, jnp.zeros((16,), jnp.float32)
        )
        acc_v[...] = acc
        pltpu.sync_copy(acc_v, loss_hbm.at[wid])

    return body(w, idx, x)


def _normalize(v):
    norm = jnp.linalg.norm(v, ord=2, axis=-1, keepdims=True)
    return v / jnp.maximum(norm, 1e-12)


def kernel(x, W):
    xn = _normalize(x)
    wn = _normalize(W)
    sxn = jnp.sum(xn ** 2, axis=1)
    cn2 = jnp.sum(wn ** 2, axis=1)

    ah = xn.astype(jnp.bfloat16)
    wht = wn.astype(jnp.bfloat16).T

    idx = pl.pallas_call(
        _argmin_body,
        grid=(NUM_TOKENS_C // TOK_BLOCK,),
        in_specs=[
            pl.BlockSpec((TOK_BLOCK, CODE_DIM_C), lambda i: (i, 0)),
            pl.BlockSpec((TOK_BLOCK,), lambda i: (i,)),
            pl.BlockSpec((CODE_DIM_C, NUM_EMB_C), lambda i: (0, 0)),
            pl.BlockSpec((NUM_EMB_C,), lambda i: (0,)),
        ],
        out_specs=pl.BlockSpec((TOK_BLOCK,), lambda i: (i,)),
        out_shape=jax.ShapeDtypeStruct((NUM_TOKENS_C,), jnp.int32),
    )(ah, sxn, wht, cn2)

    ste, loss_part = _sc_gather(W, idx, x)
    loss = jnp.sum(loss_part) / jnp.float32(NUM_TOKENS_C * CODE_DIM_C)
    return ste, loss, loss, idx

# --- scband reference (transcript-rebuilt; emitter-appended) ---
"""Pipeline reference for scband-code-book-29738353557976 (READ-ONLY COPY).

The authoritative reference and input builder live on the scoring server;
editing this copy changes nothing except your own understanding.
"""

import jax, jax.numpy as jnp
import numpy as np

NUM_TOKENS = 16384
CODE_DIM = 256
NUM_EMB = 8192


def _l2_normalize(v, eps=1e-12):
    # matches torch F.normalize(p=2, dim=-1)
    norm = jnp.linalg.norm(v, ord=2, axis=-1, keepdims=True)
    return v / jnp.maximum(norm, eps)


def setup_inputs(seed: int = 0) -> dict:
    key = jax.random.key(seed)
    k1, k2 = jax.random.split(key)
    x = jax.random.normal(k1, (NUM_TOKENS, CODE_DIM), dtype=jnp.float32)
    # embedding table init: uniform(-1/K, 1/K) as in the torch module
    W = jax.random.uniform(k2, (NUM_EMB, CODE_DIM), minval=-1.0 / NUM_EMB, maxval=1.0 / NUM_EMB, dtype=jnp.float32)
    return {"x": x, "W": W}


def reference(x, W):
    x_normalized = _l2_normalize(x)
    codebook_normalized = _l2_normalize(W)
    distances = (
        jnp.sum(x_normalized ** 2, axis=1, keepdims=True)
        + jnp.sum(codebook_normalized ** 2, axis=1)
        - 2.0 * jnp.matmul(x_normalized, codebook_normalized.T)
    )
    encoding_indices = jnp.argmin(distances, axis=1)
    quantized_unnormalized = jnp.take(W, encoding_indices, axis=0)
    codebook_loss = jnp.mean((quantized_unnormalized - jax.lax.stop_gradient(x)) ** 2)
    commitment_loss = jnp.mean((x - jax.lax.stop_gradient(quantized_unnormalized)) ** 2)
    quantized_ste = x + jax.lax.stop_gradient(quantized_unnormalized - x)
    return (quantized_ste, codebook_loss, commitment_loss, encoding_indices)

if __name__ == "__main__":
    import jax
    _d = setup_inputs()
    print(jax.jit(kernel)(*tuple(_d.values())))

</pallas_src>

<mosaic_0001>
#map = affine_map<(d0, d1) -> (0, 0)>
#map1 = affine_map<(d0, d1) -> (0)>
module attributes {stable_mosaic.version = 14 : i64} {
  func.func @body(%arg0: i32, %arg1: i32, %arg2: memref<8192x256xf32, #tpu.memory_space<hbm>>, %arg3: memref<16384xi32, #tpu.memory_space<hbm>>, %arg4: memref<16384x256xf32, #tpu.memory_space<hbm>>, %arg5: memref<16384x256xf32, #tpu.memory_space<hbm>>, %arg6: memref<32x16xf32, #tpu.memory_space<hbm>>, %arg7: memref<128xi32, #tpu.memory_space<vmem>>, %arg8: memref<128x256xf32, #tpu.memory_space<vmem>>, %arg9: memref<128x256xf32, #tpu.memory_space<vmem>>, %arg10: memref<16xf32, #tpu.memory_space<vmem>>, %arg11: memref<!tpu.dma_semaphore, #tpu.memory_space<semaphore_mem>>) attributes {dimension_semantics = [#tpu.dimension_semantics<core_parallel>, #tpu.dimension_semantics<subcore_parallel>], iteration_bounds = array<i64: 2, 16>, scalar_prefetch = 0 : i64, scratch_operands = 5 : i64, tpu.core_type = #tpu.core_type<sc_vector_subcore>, window_params = [{transform_indices = #map}, {transform_indices = #map1}, {transform_indices = #map}, {transform_indices = #map}, {transform_indices = #map}]} {
    %mul3A = arith.constant 2 : i32
    %mul3A_0 = arith.muli %arg1, %mul3A : i32
    %add3A = arith.addi %mul3A_0, %arg0 : i32
    %mul3A_1 = arith.constant 512 : i32
    %mul3A_2 = arith.muli %add3A, %mul3A_1 : i32
    %broadcast_in_dim3A = arith.constant 0.000000e+00 : f32
    %broadcast_in_dim3A_3 = vector.broadcast %broadcast_in_dim3A : f32 to vector<16xf32>
    %scan3A = arith.constant 0 : i32
    %scan3A_4 = arith.constant 4 : i32
    %scan3A_5 = arith.addi %scan3A, %scan3A_4 : i32
    %scan3A_6 = arith.constant 1 : i32
    %scan3A_7 = scf.for %scan3A_12 = %scan3A to %scan3A_5 step %scan3A_6 iter_args(%scan3A_13 = %broadcast_in_dim3A_3) -> (vector<16xf32>)  : i32 {
      %mul3A_14 = arith.constant 128 : i32
      %mul3A_15 = arith.muli %scan3A_12, %mul3A_14 : i32
      %add3A_16 = arith.addi %mul3A_2, %mul3A_15 : i32
      "tpu.region"() ({
        %run_scoped3A = tpu.sem_alloc : memref<!tpu.dma_semaphore, #tpu.memory_space<semaphore_mem>>
        %dma_start3A_27 = tpu.memref_slice %arg3[%add3A_16] : memref<16384xi32, #tpu.memory_space<hbm>> -> memref<128xi32, #tpu.memory_space<hbm>>
        %dma_start3A_28 = tpu.memref_slice %arg3[%add3A_16] : memref<16384xi32, #tpu.memory_space<hbm>> -> memref<128xi32, #tpu.memory_space<hbm>>
        tpu.enqueue_dma source(%dma_start3A_28 : memref<128xi32, #tpu.memory_space<hbm>>) target(%arg7 : memref<128xi32, #tpu.memory_space<vmem>>) target_semaphore(%run_scoped3A : memref<!tpu.dma_semaphore, #tpu.memory_space<semaphore_mem>>)
        %dma_wait3A_29 = tpu.memref_slice %arg3[%add3A_16] : memref<16384xi32, #tpu.memory_space<hbm>> -> memref<128xi32, #tpu.memory_space<hbm>>
        %dma_wait3A_30 = tpu.memref_slice %arg3[%add3A_16] : memref<16384xi32, #tpu.memory_space<hbm>> -> memref<128xi32, #tpu.memory_space<hbm>>
        tpu.wait_dma2 semaphore(%run_scoped3A : memref<!tpu.dma_semaphore, #tpu.memory_space<semaphore_mem>>) src(%dma_wait3A_30 : memref<128xi32, #tpu.memory_space<hbm>>) dst(%arg7 : memref<128xi32, #tpu.memory_space<vmem>>)
        tpu.yield
      }) : () -> ()
      %dma_start3A = arith.constant 0 : i32
      %dma_start3A_17 = arith.constant 0 : i32
      %dma_start3A_18 = tpu.memref_slice %arg2[%dma_start3A, %dma_start3A_17] : memref<8192x256xf32, #tpu.memory_space<hbm>> -> memref<8192x256xf32, #tpu.memory_space<hbm>>
      tpu.enqueue_indirect_dma source(%dma_start3A_18 : memref<8192x256xf32, #tpu.memory_space<hbm>>) target(%arg8 : memref<128x256xf32, #tpu.memory_space<vmem>>) offsets(%arg7 : memref<128xi32, #tpu.memory_space<vmem>>) semaphore(%arg11 : memref<!tpu.dma_semaphore, #tpu.memory_space<semaphore_mem>>)
      "tpu.region"() ({
        %run_scoped3A = tpu.sem_alloc : memref<!tpu.dma_semaphore, #tpu.memory_space<semaphore_mem>>
        %dma_start3A_27 = arith.constant 0 : i32
        %dma_start3A_28 = tpu.memref_slice %arg4[%add3A_16, %dma_start3A_27] : memref<16384x256xf32, #tpu.memory_space<hbm>> -> memref<128x256xf32, #tpu.memory_space<hbm>>
        %dma_start3A_29 = arith.constant 0 : i32
        %dma_start3A_30 = tpu.memref_slice %arg4[%add3A_16, %dma_start3A_29] : memref<16384x256xf32, #tpu.memory_space<hbm>> -> memref<128x256xf32, #tpu.memory_space<hbm>>
        tpu.enqueue_dma source(%dma_start3A_30 : memref<128x256xf32, #tpu.memory_space<hbm>>) target(%arg9 : memref<128x256xf32, #tpu.memory_space<vmem>>) target_semaphore(%run_scoped3A : memref<!tpu.dma_semaphore, #tpu.memory_space<semaphore_mem>>)
        %dma_wait3A_31 = arith.constant 0 : i32
        %dma_wait3A_32 = tpu.memref_slice %arg4[%add3A_16, %dma_wait3A_31] : memref<16384x256xf32, #tpu.memory_space<hbm>> -> memref<128x256xf32, #tpu.memory_space<hbm>>
        %dma_wait3A_33 = arith.constant 0 : i32
        %dma_wait3A_34 = tpu.memref_slice %arg4[%add3A_16, %dma_wait3A_33] : memref<16384x256xf32, #tpu.memory_space<hbm>> -> memref<128x256xf32, #tpu.memory_space<hbm>>
        tpu.wait_dma2 semaphore(%run_scoped3A : memref<!tpu.dma_semaphore, #tpu.memory_space<semaphore_mem>>) src(%dma_wait3A_34 : memref<128x256xf32, #tpu.memory_space<hbm>>) dst(%arg9 : memref<128x256xf32, #tpu.memory_space<vmem>>)
        tpu.yield
      }) : () -> ()
      %dma_wait3A = arith.constant 0 : i32
      %dma_wait3A_19 = arith.constant 0 : i32
      %dma_wait3A_20 = tpu.memref_slice %arg2[%dma_wait3A, %dma_wait3A_19] : memref<8192x256xf32, #tpu.memory_space<hbm>> -> memref<8192x256xf32, #tpu.memory_space<hbm>>
      tpu.wait_indirect_dma semaphore(%arg11 : memref<!tpu.dma_semaphore, #tpu.memory_space<semaphore_mem>>) src(%dma_wait3A_20 : memref<8192x256xf32, #tpu.memory_space<hbm>>) dst(%arg8 : memref<128x256xf32, #tpu.memory_space<vmem>>)
      %scan3A_21 = arith.constant 0 : i32
      %scan3A_22 = arith.constant 128 : i32
      %scan3A_23 = arith.addi %scan3A_21, %scan3A_22 : i32
      %scan3A_24 = arith.constant 1 : i32
      %scan3A_25 = scf.for %scan3A_27 = %scan3A_21 to %scan3A_23 step %scan3A_24 iter_args(%scan3A_28 = %scan3A_13) -> (vector<16xf32>)  : i32 {
        %get3A = arith.index_cast %scan3A_27 : i32 to index
        %get3A_29 = arith.constant 0 : index
        %get3A_30 = tpu.vector_load %arg8[%get3A, %get3A_29] {strides = array<i32>} : memref<128x256xf32, #tpu.memory_space<vmem>>, vector<1x16xf32>,
        %get3A_31 = vector.shape_cast %get3A_30 : vector<1x16xf32> to vector<16xf32>
        %get3A_32 = arith.index_cast %scan3A_27 : i32 to index
        %get3A_33 = arith.constant 0 : index
        %get3A_34 = tpu.vector_load %arg9[%get3A_32, %get3A_33] {strides = array<i32>} : memref<128x256xf32, #tpu.memory_space<vmem>>, vector<1x16xf32>,
        %get3A_35 = vector.shape_cast %get3A_34 : vector<1x16xf32> to vector<16xf32>
        %sub3A = arith.subf %get3A_31, %get3A_35 : vector<16xf32>
        %mul3A_36 = arith.mulf %sub3A, %sub3A : vector<16xf32>
        %add3A_37 = arith.addf %scan3A_28, %mul3A_36 : vector<16xf32>
        %add3A_38 = arith.addf %get3A_35, %sub3A : vector<16xf32>
        %swap3A_39 = arith.index_cast %scan3A_27 : i32 to index
        %swap3A_40 = arith.constant 0 : index
        %swap3A_41 = tpu.vector_load %arg8[%swap3A_39, %swap3A_40] {strides = array<i32>} : memref<128x256xf32, #tpu.memory_space<vmem>>, vector<1x16xf32>,
        %swap3A_42 = vector.shape_cast %swap3A_41 : vector<1x16xf32> to vector<16xf32>
        %swap3A_43 = vector.shape_cast %add3A_38 : vector<16xf32> to vector<1x16xf32>
        tpu.vector_store %arg8[%swap3A_39, %swap3A_40], %swap3A_43 {strides = array<i32>} : memref<128x256xf32, #tpu.memory_space<vmem>>, vector<1x16xf32>,
        %get3A_44 = arith.index_cast %scan3A_27 : i32 to index
        %get3A_45 = arith.constant 16 : index
        %get3A_46 = tpu.vector_load %arg8[%get3A_44, %get3A_45] {strides = array<i32>} : memref<128x256xf32, #tpu.memory_space<vmem>>, vector<1x16xf32>,
        %get3A_47 = vector.shape_cast %get3A_46 : vector<1x16xf32> to vector<16xf32>
        %get3A_48 = arith.index_cast %scan3A_27 : i32 to index
        %get3A_49 = arith.constant 16 : index
        %get3A_50 = tpu.vector_load %arg9[%get3A_48, %get3A_49] {strides = array<i32>} : memref<128x256xf32, #tpu.memory_space<vmem>>, vector<1x16xf32>,
        %get3A_51 = vector.shape_cast %get3A_50 : vector<1x16xf32> to vector<16xf32>
        %sub3A_52 = arith.subf %get3A_47, %get3A_51 : vector<16xf32>
        %mul3A_53 = arith.mulf %sub3A_52, %sub3A_52 : vector<16xf32>
        %add3A_54 = arith.addf %add3A_37, %mul3A_53 : vector<16xf32>
        %add3A_55 = arith.addf %get3A_51, %sub3A_52 : vector<16xf32>
        %swap3A_56 = arith.index_cast %scan3A_27 : i32 to index
        %swap3A_57 = arith.constant 16 : index
        %swap3A_58 = tpu.vector_load %arg8[%swap3A_56, %swap3A_57] {strides = array<i32>} : memref<128x256xf32, #tpu.memory_space<vmem>>, vector<1x16xf32>,
        %swap3A_59 = vector.shape_cast %swap3A_58 : vector<1x16xf32> to vector<16xf32>
        %swap3A_60 = vector.shape_cast %add3A_55 : vector<16xf32> to vector<1x16xf32>
        tpu.vector_store %arg8[%swap3A_56, %swap3A_57], %swap3A_60 {strides = array<i32>} : memref<128x256xf32, #tpu.memory_space<vmem>>, vector<1x16xf32>,
        %get3A_61 = arith.index_cast %scan3A_27 : i32 to index
        %get3A_62 = arith.constant 32 : index
        %get3A_63 = tpu.vector_load %arg8[%get3A_61, %get3A_62] {strides = array<i32>} : memref<128x256xf32, #tpu.memory_space<vmem>>, vector<1x16xf32>,
        %get3A_64 = vector.shape_cast %get3A_63 : vector<1x16xf32> to vector<16xf32>
        %get3A_65 = arith.index_cast %scan3A_27 : i32 to index
        %get3A_66 = arith.constant 32 : index
        %get3A_67 = tpu.vector_load %arg9[%get3A_65, %get3A_66] {strides = array<i32>} : memref<128x256xf32, #tpu.memory_space<vmem>>, vector<1x16xf32>,
        %get3A_68 = vector.shape_cast %get3A_67 : vector<1x16xf32> to vector<16xf32>
        %sub3A_69 = arith.subf %get3A_64, %get3A_68 : vector<16xf32>
        %mul3A_70 = arith.mulf %sub3A_69, %sub3A_69 : vector<16xf32>
        %add3A_71 = arith.addf %add3A_54, %mul3A_70 : vector<16xf32>
        %add3A_72 = arith.addf %get3A_68, %sub3A_69 : vector<16xf32>
        %swap3A_73 = arith.index_cast %scan3A_27 : i32 to index
        %swap3A_74 = arith.constant 32 : index
        %swap3A_75 = tpu.vector_load %arg8[%swap3A_73, %swap3A_74] {strides = array<i32>} : memref<128x256xf32, #tpu.memory_space<vmem>>, vector<1x16xf32>,
        %swap3A_76 = vector.shape_cast %swap3A_75 : vector<1x16xf32> to vector<16xf32>
        %swap3A_77 = vector.shape_cast %add3A_72 : vector<16xf32> to vector<1x16xf32>
        tpu.vector_store %arg8[%swap3A_73, %swap3A_74], %swap3A_77 {strides = array<i32>} : memref<128x256xf32, #tpu.memory_space<vmem>>, vector<1x16xf32>,
        %get3A_78 = arith.index_cast %scan3A_27 : i32 to index
        %get3A_79 = arith.constant 48 : index
        %get3A_80 = tpu.vector_load %arg8[%get3A_78, %get3A_79] {strides = array<i32>} : memref<128x256xf32, #tpu.memory_space<vmem>>, vector<1x16xf32>,
        %get3A_81 = vector.shape_cast %get3A_80 : vector<1x16xf32> to vector<16xf32>
        %get3A_82 = arith.index_cast %scan3A_27 : i32 to index
        %get3A_83 = arith.constant 48 : index
        %get3A_84 = tpu.vector_load %arg9[%get3A_82, %get3A_83] {strides = array<i32>} : memref<128x256xf32, #tpu.memory_space<vmem>>, vector<1x16xf32>,
        %get3A_85 = vector.shape_cast %get3A_84 : vector<1x16xf32> to vector<16xf32>
        %sub3A_86 = arith.subf %get3A_81, %get3A_85 : vector<16xf32>
        %mul3A_87 = arith.mulf %sub3A_86, %sub3A_86 : vector<16xf32>
        %add3A_88 = arith.addf %add3A_71, %mul3A_87 : vector<16xf32>
        %add3A_89 = arith.addf %get3A_85, %sub3A_86 : vector<16xf32>
        %swap3A_90 = arith.index_cast %scan3A_27 : i32 to index
        %swap3A_91 = arith.constant 48 : index
        %swap3A_92 = tpu.vector_load %arg8[%swap3A_90, %swap3A_91] {strides = array<i32>} : memref<128x256xf32, #tpu.memory_space<vmem>>, vector<1x16xf32>,
        %swap3A_93 = vector.shape_cast %swap3A_92 : vector<1x16xf32> to vector<16xf32>
        %swap3A_94 = vector.shape_cast %add3A_89 : vector<16xf32> to vector<1x16xf32>
        tpu.vector_store %arg8[%swap3A_90, %swap3A_91], %swap3A_94 {strides = array<i32>} : memref<128x256xf32, #tpu.memory_space<vmem>>, vector<1x16xf32>,
        %get3A_95 = arith.index_cast %scan3A_27 : i32 to index
        %get3A_96 = arith.constant 64 : index
        %get3A_97 = tpu.vector_load %arg8[%get3A_95, %get3A_96] {strides = array<i32>} : memref<128x256xf32, #tpu.memory_space<vmem>>, vector<1x16xf32>,
        %get3A_98 = vector.shape_cast %get3A_97 : vector<1x16xf32> to vector<16xf32>
        %get3A_99 = arith.index_cast %scan3A_27 : i32 to index
        %get3A_100 = arith.constant 64 : index
        %get3A_101 = tpu.vector_load %arg9[%get3A_99, %get3A_100] {strides = array<i32>} : memref<128x256xf32, #tpu.memory_space<vmem>>, vector<1x16xf32>,
        %get3A_102 = vector.shape_cast %get3A_101 : vector<1x16xf32> to vector<16xf32>
        %sub3A_103 = arith.subf %get3A_98, %get3A_102 : vector<16xf32>
        %mul3A_104 = arith.mulf %sub3A_103, %sub3A_103 : vector<16xf32>
        %add3A_105 = arith.addf %add3A_88, %mul3A_104 : vector<16xf32>
        %add3A_106 = arith.addf %get3A_102, %sub3A_103 : vector<16xf32>
        %swap3A_107 = arith.index_cast %scan3A_27 : i32 to index
        %swap3A_108 = arith.constant 64 : index
        %swap3A_109 = tpu.vector_load %arg8[%swap3A_107, %swap3A_108] {strides = array<i32>} : memref<128x256xf32, #tpu.memory_space<vmem>>, vector<1x16xf32>,
        %swap3A_110 = vector.shape_cast %swap3A_109 : vector<1x16xf32> to vector<16xf32>
        %swap3A_111 = vector.shape_cast %add3A_106 : vector<16xf32> to vector<1x16xf32>
        tpu.vector_store %arg8[%swap3A_107, %swap3A_108], %swap3A_111 {strides = array<i32>} : memref<128x256xf32, #tpu.memory_space<vmem>>, vector<1x16xf32>,
        %get3A_112 = arith.index_cast %scan3A_27 : i32 to index
        %get3A_113 = arith.constant 80 : index
        %get3A_114 = tpu.vector_load %arg8[%get3A_112, %get3A_113] {strides = array<i32>} : memref<128x256xf32, #tpu.memory_space<vmem>>, vector<1x16xf32>,
        %get3A_115 = vector.shape_cast %get3A_114 : vector<1x16xf32> to vector<16xf32>
        %get3A_116 = arith.index_cast %scan3A_27 : i32 to index
        %get3A_117 = arith.constant 80 : index
        %get3A_118 = tpu.vector_load %arg9[%get3A_116, %get3A_117] {strides = array<i32>} : memref<128x256xf32, #tpu.memory_space<vmem>>, vector<1x16xf32>,
        %get3A_119 = vector.shape_cast %get3A_118 : vector<1x16xf32> to vector<16xf32>
        %sub3A_120 = arith.subf %get3A_115, %get3A_119 : vector<16xf32>
        %mul3A_121 = arith.mulf %sub3A_120, %sub3A_120 : vector<16xf32>
        %add3A_122 = arith.addf %add3A_105, %mul3A_121 : vector<16xf32>
        %add3A_123 = arith.addf %get3A_119, %sub3A_120 : vector<16xf32>
        %swap3A_124 = arith.index_cast %scan3A_27 : i32 to index
        %swap3A_125 = arith.constant 80 : index
        %swap3A_126 = tpu.vector_load %arg8[%swap3A_124, %swap3A_125] {strides = array<i32>} : memref<128x256xf32, #tpu.memory_space<vmem>>, vector<1x16xf32>,
        %swap3A_127 = vector.shape_cast %swap3A_126 : vector<1x16xf32> to vector<16xf32>
        %swap3A_128 = vector.shape_cast %add3A_123 : vector<16xf32> to vector<1x16xf32>
        tpu.vector_store %arg8[%swap3A_124, %swap3A_125], %swap3A_128 {strides = array<i32>} : memref<128x256xf32, #tpu.memory_space<vmem>>, vector<1x16xf32>,
        %get3A_129 = arith.index_cast %scan3A_27 : i32 to index
        %get3A_130 = arith.constant 96 : index
        %get3A_131 = tpu.vector_load %arg8[%get3A_129, %get3A_130] {strides = array<i32>} : memref<128x256xf32, #tpu.memory_space<vmem>>, vector<1x16xf32>,
        %get3A_132 = vector.shape_cast %get3A_131 : vector<1x16xf32> to vector<16xf32>
        %get3A_133 = arith.index_cast %scan3A_27 : i32 to index
        %get3A_134 = arith.constant 96 : index
        %get3A_135 = tpu.vector_load %arg9[%get3A_133, %get3A_134] {strides = array<i32>} : memref<128x256xf32, #tpu.memory_space<vmem>>, vector<1x16xf32>,
        %get3A_136 = vector.shape_cast %get3A_135 : vector<1x16xf32> to vector<16xf32>
        %sub3A_137 = arith.subf %get3A_132, %get3A_136 : vector<16xf32>
        %mul3A_138 = arith.mulf %sub3A_137, %sub3A_137 : vector<16xf32>
        %add3A_139 = arith.addf %add3A_122, %mul3A_138 : vector<16xf32>
        %add3A_140 = arith.addf %get3A_136, %sub3A_137 : vector<16xf32>
        %swap3A_141 = arith.index_cast %scan3A_27 : i32 to index
        %swap3A_142 = arith.constant 96 : index
        %swap3A_143 = tpu.vector_load %arg8[%swap3A_141, %swap3A_142] {strides = array<i32>} : memref<128x256xf32, #tpu.memory_space<vmem>>, vector<1x16xf32>,
        %swap3A_144 = vector.shape_cast %swap3A_143 : vector<1x16xf32> to vector<16xf32>
        %swap3A_145 = vector.shape_cast %add3A_140 : vector<16xf32> to vector<1x16xf32>
        tpu.vector_store %arg8[%swap3A_141, %swap3A_142], %swap3A_145 {strides = array<i32>} : memref<128x256xf32, #tpu.memory_space<vmem>>, vector<1x16xf32>,
        %get3A_146 = arith.index_cast %scan3A_27 : i32 to index
        %get3A_147 = arith.constant 112 : index
        %get3A_148 = tpu.vector_load %arg8[%get3A_146, %get3A_147] {strides = array<i32>} : memref<128x256xf32, #tpu.memory_space<vmem>>, vector<1x16xf32>,
        %get3A_149 = vector.shape_cast %get3A_148 : vector<1x16xf32> to vector<16xf32>
        %get3A_150 = arith.index_cast %scan3A_27 : i32 to index
        %get3A_151 = arith.constant 112 : index
        %get3A_152 = tpu.vector_load %arg9[%get3A_150, %get3A_151] {strides = array<i32>} : memref<128x256xf32, #tpu.memory_space<vmem>>, vector<1x16xf32>,
        %get3A_153 = vector.shape_cast %get3A_152 : vector<1x16xf32> to vector<16xf32>
        %sub3A_154 = arith.subf %get3A_149, %get3A_153 : vector<16xf32>
        %mul3A_155 = arith.mulf %sub3A_154, %sub3A_154 : vector<16xf32>
        %add3A_156 = arith.addf %add3A_139, %mul3A_155 : vector<16xf32>
        %add3A_157 = arith.addf %get3A_153, %sub3A_154 : vector<16xf32>
        %swap3A_158 = arith.index_cast %scan3A_27 : i32 to index
        %swap3A_159 = arith.constant 112 : index
        %swap3A_160 = tpu.vector_load %arg8[%swap3A_158, %swap3A_159] {strides = array<i32>} : memref<128x256xf32, #tpu.memory_space<vmem>>, vector<1x16xf32>,
        %swap3A_161 = vector.shape_cast %swap3A_160 : vector<1x16xf32> to vector<16xf32>
        %swap3A_162 = vector.shape_cast %add3A_157 : vector<16xf32> to vector<1x16xf32>
        tpu.vector_store %arg8[%swap3A_158, %swap3A_159], %swap3A_162 {strides = array<i32>} : memref<128x256xf32, #tpu.memory_space<vmem>>, vector<1x16xf32>,
        %get3A_163 = arith.index_cast %scan3A_27 : i32 to index
        %get3A_164 = arith.constant 128 : index
        %get3A_165 = tpu.vector_load %arg8[%get3A_163, %get3A_164] {strides = array<i32>} : memref<128x256xf32, #tpu.memory_space<vmem>>, vector<1x16xf32>,
        %get3A_166 = vector.shape_cast %get3A_165 : vector<1x16xf32> to vector<16xf32>
        %get3A_167 = arith.index_cast %scan3A_27 : i32 to index
        %get3A_168 = arith.constant 128 : index
        %get3A_169 = tpu.vector_load %arg9[%get3A_167, %get3A_168] {strides = array<i32>} : memref<128x256xf32, #tpu.memory_space<vmem>>, vector<1x16xf32>,
        %get3A_170 = vector.shape_cast %get3A_169 : vector<1x16xf32> to vector<16xf32>
        %sub3A_171 = arith.subf %get3A_166, %get3A_170 : vector<16xf32>
        %mul3A_172 = arith.mulf %sub3A_171, %sub3A_171 : vector<16xf32>
        %add3A_173 = arith.addf %add3A_156, %mul3A_172 : vector<16xf32>
        %add3A_174 = arith.addf %get3A_170, %sub3A_171 : vector<16xf32>
        %swap3A_175 = arith.index_cast %scan3A_27 : i32 to index
        %swap3A_176 = arith.constant 128 : index
        %swap3A_177 = tpu.vector_load %arg8[%swap3A_175, %swap3A_176] {strides = array<i32>} : memref<128x256xf32, #tpu.memory_space<vmem>>, vector<1x16xf32>,
        %swap3A_178 = vector.shape_cast %swap3A_177 : vector<1x16xf32> to vector<16xf32>
        %swap3A_179 = vector.shape_cast %add3A_174 : vector<16xf32> to vector<1x16xf32>
        tpu.vector_store %arg8[%swap3A_175, %swap3A_176], %swap3A_179 {strides = array<i32>} : memref<128x256xf32, #tpu.memory_space<vmem>>, vector<1x16xf32>,
        %get3A_180 = arith.index_cast %scan3A_27 : i32 to index
        %get3A_181 = arith.constant 144 : index
        %get3A_182 = tpu.vector_load %arg8[%get3A_180, %get3A_181] {strides = array<i32>} : memref<128x256xf32, #tpu.memory_space<vmem>>, vector<1x16xf32>,
        %get3A_183 = vector.shape_cast %get3A_182 : vector<1x16xf32> to vector<16xf32>
        %get3A_184 = arith.index_cast %scan3A_27 : i32 to index
        %get3A_185 = arith.constant 144 : index
        %get3A_186 = tpu.vector_load %arg9[%get3A_184, %get3A_185] {strides = array<i32>} : memref<128x256xf32, #tpu.memory_space<vmem>>, vector<1x16xf32>,
        %get3A_187 = vector.shape_cast %get3A_186 : vector<1x16xf32> to vector<16xf32>
        %sub3A_188 = arith.subf %get3A_183, %get3A_187 : vector<16xf32>
        %mul3A_189 = arith.mulf %sub3A_188, %sub3A_188 : vector<16xf32>
        %add3A_190 = arith.addf %add3A_173, %mul3A_189 : vector<16xf32>
        %add3A_191 = arith.addf %get3A_187, %sub3A_188 : vector<16xf32>
        %swap3A_192 = arith.index_cast %scan3A_27 : i32 to index
        %swap3A_193 = arith.constant 144 : index
        %swap3A_194 = tpu.vector_load %arg8[%swap3A_192, %swap3A_193] {strides = array<i32>} : memref<128x256xf32, #tpu.memory_space<vmem>>, vector<1x16xf32>,
        %swap3A_195 = vector.shape_cast %swap3A_194 : vector<1x16xf32> to vector<16xf32>
        %swap3A_196 = vector.shape_cast %add3A_191 : vector<16xf32> to vector<1x16xf32>
        tpu.vector_store %arg8[%swap3A_192, %swap3A_193], %swap3A_196 {strides = array<i32>} : memref<128x256xf32, #tpu.memory_space<vmem>>, vector<1x16xf32>,
        %get3A_197 = arith.index_cast %scan3A_27 : i32 to index
        %get3A_198 = arith.constant 160 : index
        %get3A_199 = tpu.vector_load %arg8[%get3A_197, %get3A_198] {strides = array<i32>} : memref<128x256xf32, #tpu.memory_space<vmem>>, vector<1x16xf32>,
        %get3A_200 = vector.shape_cast %get3A_199 : vector<1x16xf32> to vector<16xf32>
        %get3A_201 = arith.index_cast %scan3A_27 : i32 to index
        %get3A_202 = arith.constant 160 : index
        %get3A_203 = tpu.vector_load %arg9[%get3A_201, %get3A_202] {strides = array<i32>} : memref<128x256xf32, #tpu.memory_space<vmem>>, vector<1x16xf32>,
        %get3A_204 = vector.shape_cast %get3A_203 : vector<1x16xf32> to vector<16xf32>
        %sub3A_205 = arith.subf %get3A_200, %get3A_204 : vector<16xf32>
        %mul3A_206 = arith.mulf %sub3A_205, %sub3A_205 : vector<16xf32>
        %add3A_207 = arith.addf %add3A_190, %mul3A_206 : vector<16xf32>
        %add3A_208 = arith.addf %get3A_204, %sub3A_205 : vector<16xf32>
        %swap3A_209 = arith.index_cast %scan3A_27 : i32 to index
        %swap3A_210 = arith.constant 160 : index
        %swap3A_211 = tpu.vector_load %arg8[%swap3A_209, %swap3A_210] {strides = array<i32>} : memref<128x256xf32, #tpu.memory_space<vmem>>, vector<1x16xf32>,
        %swap3A_212 = vector.shape_cast %swap3A_211 : vector<1x16xf32> to vector<16xf32>
        %swap3A_213 = vector.shape_cast %add3A_208 : vector<16xf32> to vector<1x16xf32>
        tpu.vector_store %arg8[%swap3A_209, %swap3A_210], %swap3A_213 {strides = array<i32>} : memref<128x256xf32, #tpu.memory_space<vmem>>, vector<1x16xf32>,
        %get3A_214 = arith.index_cast %scan3A_27 : i32 to index
        %get3A_215 = arith.constant 176 : index
        %get3A_216 = tpu.vector_load %arg8[%get3A_214, %get3A_215] {strides = array<i32>} : memref<128x256xf32, #tpu.memory_space<vmem>>, vector<1x16xf32>,
        %get3A_217 = vector.shape_cast %get3A_216 : vector<1x16xf32> to vector<16xf32>
        %get3A_218 = arith.index_cast %scan3A_27 : i32 to index
        %get3A_219 = arith.constant 176 : index
        %get3A_220 = tpu.vector_load %arg9[%get3A_218, %get3A_219] {strides = array<i32>} : memref<128x256xf32, #tpu.memory_space<vmem>>, vector<1x16xf32>,
        %get3A_221 = vector.shape_cast %get3A_220 : vector<1x16xf32> to vector<16xf32>
        %sub3A_222 = arith.subf %get3A_217, %get3A_221 : vector<16xf32>
        %mul3A_223 = arith.mulf %sub3A_222, %sub3A_222 : vector<16xf32>
        %add3A_224 = arith.addf %add3A_207, %mul3A_223 : vector<16xf32>
        %add3A_225 = arith.addf %get3A_221, %sub3A_222 : vector<16xf32>
        %swap3A_226 = arith.index_cast %scan3A_27 : i32 to index
        %swap3A_227 = arith.constant 176 : index
        %swap3A_228 = tpu.vector_load %arg8[%swap3A_226, %swap3A_227] {strides = array<i32>} : memref<128x256xf32, #tpu.memory_space<vmem>>, vector<1x16xf32>,
        %swap3A_229 = vector.shape_cast %swap3A_228 : vector<1x16xf32> to vector<16xf32>
        %swap3A_230 = vector.shape_cast %add3A_225 : vector<16xf32> to vector<1x16xf32>
        tpu.vector_store %arg8[%swap3A_226, %swap3A_227], %swap3A_230 {strides = array<i32>} : memref<128x256xf32, #tpu.memory_space<vmem>>, vector<1x16xf32>,
        %get3A_231 = arith.index_cast %scan3A_27 : i32 to index
        %get3A_232 = arith.constant 192 : index
        %get3A_233 = tpu.vector_load %arg8[%get3A_231, %get3A_232] {strides = array<i32>} : memref<128x256xf32, #tpu.memory_space<vmem>>, vector<1x16xf32>,
        %get3A_234 = vector.shape_cast %get3A_233 : vector<1x16xf32> to vector<16xf32>
        %get3A_235 = arith.index_cast %scan3A_27 : i32 to index
        %get3A_236 = arith.constant 192 : index
        %get3A_237 = tpu.vector_load %arg9[%get3A_235, %get3A_236] {strides = array<i32>} : memref<128x256xf32, #tpu.memory_space<vmem>>, vector<1x16xf32>,
        %get3A_238 = vector.shape_cast %get3A_237 : vector<1x16xf32> to vector<16xf32>
        %sub3A_239 = arith.subf %get3A_234, %get3A_238 : vector<16xf32>
        %mul3A_240 = arith.mulf %sub3A_239, %sub3A_239 : vector<16xf32>
        %add3A_241 = arith.addf %add3A_224, %mul3A_240 : vector<16xf32>
        %add3A_242 = arith.addf %get3A_238, %sub3A_239 : vector<16xf32>
        %swap3A_243 = arith.index_cast %scan3A_27 : i32 to index
        %swap3A_244 = arith.constant 192 : index
        %swap3A_245 = tpu.vector_load %arg8[%swap3A_243, %swap3A_244] {strides = array<i32>} : memref<128x256xf32, #tpu.memory_space<vmem>>, vector<1x16xf32>,
        %swap3A_246 = vector.shape_cast %swap3A_245 : vector<1x16xf32> to vector<16xf32>
        %swap3A_247 = vector.shape_cast %add3A_242 : vector<16xf32> to vector<1x16xf32>
        tpu.vector_store %arg8[%swap3A_243, %swap3A_244], %swap3A_247 {strides = array<i32>} : memref<128x256xf32, #tpu.memory_space<vmem>>, vector<1x16xf32>,
        %get3A_248 = arith.index_cast %scan3A_27 : i32 to index
        %get3A_249 = arith.constant 208 : index
        %get3A_250 = tpu.vector_load %arg8[%get3A_248, %get3A_249] {strides = array<i32>} : memref<128x256xf32, #tpu.memory_space<vmem>>, vector<1x16xf32>,
        %get3A_251 = vector.shape_cast %get3A_250 : vector<1x16xf32> to vector<16xf32>
        %get3A_252 = arith.index_cast %scan3A_27 : i32 to index
        %get3A_253 = arith.constant 208 : index
        %get3A_254 = tpu.vector_load %arg9[%get3A_252, %get3A_253] {strides = array<i32>} : memref<128x256xf32, #tpu.memory_space<vmem>>, vector<1x16xf32>,
        %get3A_255 = vector.shape_cast %get3A_254 : vector<1x16xf32> to vector<16xf32>
        %sub3A_256 = arith.subf %get3A_251, %get3A_255 : vector<16xf32>
        %mul3A_257 = arith.mulf %sub3A_256, %sub3A_256 : vector<16xf32>
        %add3A_258 = arith.addf %add3A_241, %mul3A_257 : vector<16xf32>
        %add3A_259 = arith.addf %get3A_255, %sub3A_256 : vector<16xf32>
        %swap3A_260 = arith.index_cast %scan3A_27 : i32 to index
        %swap3A_261 = arith.constant 208 : index
        %swap3A_262 = tpu.vector_load %arg8[%swap3A_260, %swap3A_261] {strides = array<i32>} : memref<128x256xf32, #tpu.memory_space<vmem>>, vector<1x16xf32>,
        %swap3A_263 = vector.shape_cast %swap3A_262 : vector<1x16xf32> to vector<16xf32>
        %swap3A_264 = vector.shape_cast %add3A_259 : vector<16xf32> to vector<1x16xf32>
        tpu.vector_store %arg8[%swap3A_260, %swap3A_261], %swap3A_264 {strides = array<i32>} : memref<128x256xf32, #tpu.memory_space<vmem>>, vector<1x16xf32>,
        %get3A_265 = arith.index_cast %scan3A_27 : i32 to index
        %get3A_266 = arith.constant 224 : index
        %get3A_267 = tpu.vector_load %arg8[%get3A_265, %get3A_266] {strides = array<i32>} : memref<128x256xf32, #tpu.memory_space<vmem>>, vector<1x16xf32>,
        %get3A_268 = vector.shape_cast %get3A_267 : vector<1x16xf32> to vector<16xf32>
        %get3A_269 = arith.index_cast %scan3A_27 : i32 to index
        %get3A_270 = arith.constant 224 : index
        %get3A_271 = tpu.vector_load %arg9[%get3A_269, %get3A_270] {strides = array<i32>} : memref<128x256xf32, #tpu.memory_space<vmem>>, vector<1x16xf32>,
        %get3A_272 = vector.shape_cast %get3A_271 : vector<1x16xf32> to vector<16xf32>
        %sub3A_273 = arith.subf %get3A_268, %get3A_272 : vector<16xf32>
        %mul3A_274 = arith.mulf %sub3A_273, %sub3A_273 : vector<16xf32>
        %add3A_275 = arith.addf %add3A_258, %mul3A_274 : vector<16xf32>
        %add3A_276 = arith.addf %get3A_272, %sub3A_273 : vector<16xf32>
        %swap3A_277 = arith.index_cast %scan3A_27 : i32 to index
        %swap3A_278 = arith.constant 224 : index
        %swap3A_279 = tpu.vector_load %arg8[%swap3A_277, %swap3A_278] {strides = array<i32>} : memref<128x256xf32, #tpu.memory_space<vmem>>, vector<1x16xf32>,
        %swap3A_280 = vector.shape_cast %swap3A_279 : vector<1x16xf32> to vector<16xf32>
        %swap3A_281 = vector.shape_cast %add3A_276 : vector<16xf32> to vector<1x16xf32>
        tpu.vector_store %arg8[%swap3A_277, %swap3A_278], %swap3A_281 {strides = array<i32>} : memref<128x256xf32, #tpu.memory_space<vmem>>, vector<1x16xf32>,
        %get3A_282 = arith.index_cast %scan3A_27 : i32 to index
        %get3A_283 = arith.constant 240 : index
        %get3A_284 = tpu.vector_load %arg8[%get3A_282, %get3A_283] {strides = array<i32>} : memref<128x256xf32, #tpu.memory_space<vmem>>, vector<1x16xf32>,
        %get3A_285 = vector.shape_cast %get3A_284 : vector<1x16xf32> to vector<16xf32>
        %get3A_286 = arith.index_cast %scan3A_27 : i32 to index
        %get3A_287 = arith.constant 240 : index
        %get3A_288 = tpu.vector_load %arg9[%get3A_286, %get3A_287] {strides = array<i32>} : memref<128x256xf32, #tpu.memory_space<vmem>>, vector<1x16xf32>,
        %get3A_289 = vector.shape_cast %get3A_288 : vector<1x16xf32> to vector<16xf32>
        %sub3A_290 = arith.subf %get3A_285, %get3A_289 : vector<16xf32>
        %mul3A_291 = arith.mulf %sub3A_290, %sub3A_290 : vector<16xf32>
        %add3A_292 = arith.addf %add3A_275, %mul3A_291 : vector<16xf32>
        %add3A_293 = arith.addf %get3A_289, %sub3A_290 : vector<16xf32>
        %swap3A_294 = arith.index_cast %scan3A_27 : i32 to index
        %swap3A_295 = arith.constant 240 : index
        %swap3A_296 = tpu.vector_load %arg8[%swap3A_294, %swap3A_295] {strides = array<i32>} : memref<128x256xf32, #tpu.memory_space<vmem>>, vector<1x16xf32>,
        %swap3A_297 = vector.shape_cast %swap3A_296 : vector<1x16xf32> to vector<16xf32>
        %swap3A_298 = vector.shape_cast %add3A_293 : vector<16xf32> to vector<1x16xf32>
        tpu.vector_store %arg8[%swap3A_294, %swap3A_295], %swap3A_298 {strides = array<i32>} : memref<128x256xf32, #tpu.memory_space<vmem>>, vector<1x16xf32>,
        scf.yield %add3A_292 : vector<16xf32>
      }
      %scan3A_26 = arith.constant 128 : i32
      "tpu.region"() ({
        %run_scoped3A = tpu.sem_alloc : memref<!tpu.dma_semaphore, #tpu.memory_space<semaphore_mem>>
        %dma_start3A_27 = arith.constant 0 : i32
        %dma_start3A_28 = tpu.memref_slice %arg5[%add3A_16, %dma_start3A_27] : memref<16384x256xf32, #tpu.memory_space<hbm>> -> memref<128x256xf32, #tpu.memory_space<hbm>>
        %dma_start3A_29 = arith.constant 0 : i32
        %dma_start3A_30 = tpu.memref_slice %arg5[%add3A_16, %dma_start3A_29] : memref<16384x256xf32, #tpu.memory_space<hbm>> -> memref<128x256xf32, #tpu.memory_space<hbm>>
        tpu.enqueue_dma source(%arg8 : memref<128x256xf32, #tpu.memory_space<vmem>>) target(%dma_start3A_30 : memref<128x256xf32, #tpu.memory_space<hbm>>) target_semaphore(%run_scoped3A : memref<!tpu.dma_semaphore, #tpu.memory_space<semaphore_mem>>)
        %dma_wait3A_31 = arith.constant 0 : i32
        %dma_wait3A_32 = tpu.memref_slice %arg5[%add3A_16, %dma_wait3A_31] : memref<16384x256xf32, #tpu.memory_space<hbm>> -> memref<128x256xf32, #tpu.memory_space<hbm>>
        %dma_wait3A_33 = arith.constant 0 : i32
        %dma_wait3A_34 = tpu.memref_slice %arg5[%add3A_16, %dma_wait3A_33] : memref<16384x256xf32, #tpu.memory_space<hbm>> -> memref<128x256xf32, #tpu.memory_space<hbm>>
        tpu.wait_dma2 semaphore(%run_scoped3A : memref<!tpu.dma_semaphore, #tpu.memory_space<semaphore_mem>>) src(%arg8 : memref<128x256xf32, #tpu.memory_space<vmem>>) dst(%dma_wait3A_34 : memref<128x256xf32, #tpu.memory_space<hbm>>)
        tpu.yield
      }) : () -> ()
      scf.yield %scan3A_25 : vector<16xf32>
    }
    %scan3A_8 = arith.constant 4 : i32
    %swap3A = arith.constant 0 : index
    %swap3A_9 = tpu.vector_load %arg10[%swap3A] {strides = array<i32>} : memref<16xf32, #tpu.memory_space<vmem>>, vector<16xf32>,
    %swap3A_10 = vector.shape_cast %swap3A_9 : vector<16xf32> to vector<16xf32>
    %swap3A_11 = vector.shape_cast %scan3A_7 : vector<16xf32> to vector<16xf32>
    tpu.vector_store %arg10[%swap3A], %swap3A_11 {strides = array<i32>} : memref<16xf32, #tpu.memory_space<vmem>>, vector<16xf32>,
    "tpu.region"() ({
      %run_scoped3A = tpu.sem_alloc : memref<!tpu.dma_semaphore, #tpu.memory_space<semaphore_mem>>
      %dma_start3A = arith.constant 0 : i32
      %dma_start3A_12 = tpu.memref_slice %arg6[%add3A, %dma_start3A] : memref<32x16xf32, #tpu.memory_space<hbm>> -> memref<1x16xf32, #tpu.memory_space<hbm>>
      %dma_start3A_13 = tpu.memref_squeeze %dma_start3A_12 : memref<1x16xf32, #tpu.memory_space<hbm>> -> memref<16xf32, #tpu.memory_space<hbm>>
      %dma_start3A_14 = arith.constant 0 : i32
      %dma_start3A_15 = tpu.memref_slice %arg6[%add3A, %dma_start3A_14] : memref<32x16xf32, #tpu.memory_space<hbm>> -> memref<1x16xf32, #tpu.memory_space<hbm>>
      %dma_start3A_16 = tpu.memref_squeeze %dma_start3A_15 : memref<1x16xf32, #tpu.memory_space<hbm>> -> memref<16xf32, #tpu.memory_space<hbm>>
      tpu.enqueue_dma source(%arg10 : memref<16xf32, #tpu.memory_space<vmem>>) target(%dma_start3A_16 : memref<16xf32, #tpu.memory_space<hbm>>) target_semaphore(%run_scoped3A : memref<!tpu.dma_semaphore, #tpu.memory_space<semaphore_mem>>)
      %dma_wait3A = arith.constant 0 : i32
      %dma_wait3A_17 = tpu.memref_slice %arg6[%add3A, %dma_wait3A] : memref<32x16xf32, #tpu.memory_space<hbm>> -> memref<1x16xf32, #tpu.memory_space<hbm>>
      %dma_wait3A_18 = tpu.memref_squeeze %dma_wait3A_17 : memref<1x16xf32, #tpu.memory_space<hbm>> -> memref<16xf32, #tpu.memory_space<hbm>>
      %dma_wait3A_19 = arith.constant 0 : i32
      %dma_wait3A_20 = tpu.memref_slice %arg6[%add3A, %dma_wait3A_19] : memref<32x16xf32, #tpu.memory_space<hbm>> -> memref<1x16xf32, #tpu.memory_space<hbm>>
      %dma_wait3A_21 = tpu.memref_squeeze %dma_wait3A_20 : memref<1x16xf32, #tpu.memory_space<hbm>> -> memref<16xf32, #tpu.memory_space<hbm>>
      tpu.wait_dma2 semaphore(%run_scoped3A : memref<!tpu.dma_semaphore, #tpu.memory_space<semaphore_mem>>) src(%arg10 : memref<16xf32, #tpu.memory_space<vmem>>) dst(%dma_wait3A_21 : memref<16xf32, #tpu.memory_space<hbm>>)
      tpu.yield
    }) : () -> ()
    return
  }
}

module attributes {stable_mosaic.version = 14 : i64} {
  func.func @_argmin_body(%arg0: i32, %arg1: memref<256x256xbf16, #tpu.memory_space<vmem>>, %arg2: memref<256xf32, #tpu.memory_space<vmem>>, %arg3: memref<256x8192xbf16, #tpu.memory_space<vmem>>, %arg4: memref<8192xf32, #tpu.memory_space<vmem>>, %arg5: memref<256xi32, #tpu.memory_space<vmem>>) attributes {dimension_semantics = [#tpu.dimension_semantics<arbitrary>], iteration_bounds = array<i64: 64>, scalar_prefetch = 0 : i64, scratch_operands = 0 : i64, tpu.core_type = #tpu.core_type<tc>, window_params = [{transform_indices = @transform_0, window_bounds = array<i64: 256, 256>}, {transform_indices = @transform_1, window_bounds = array<i64: 256>}, {pipeline_mode = #tpu.pipeline_mode<synchronous>, transform_indices = @transform_2, window_bounds = array<i64: 256, 8192>}, {pipeline_mode = #tpu.pipeline_mode<synchronous>, transform_indices = @transform_3, window_bounds = array<i64: 8192>}, {transform_indices = @transform_4, window_bounds = array<i64: 256>}]} {
    %get3A = arith.constant 0 : index
    %get3A_0 = arith.constant 0 : index
    %get3A_1 = vector.load %arg1[%get3A, %get3A_0] : memref<256x256xbf16, #tpu.memory_space<vmem>>, vector<256x256xbf16>
    %get3A_2 = arith.constant 0 : index
    %get3A_3 = vector.load %arg2[%get3A_2] : memref<256xf32, #tpu.memory_space<vmem>>, vector<256xf32>
    %broadcast_in_dim3A = vector.shape_cast %get3A_3 : vector<256xf32> to vector<256x1xf32>
    %broadcast_in_dim3A_4 = arith.constant 0x7F800000 : f32
    %broadcast_in_dim3A_5 = vector.broadcast %broadcast_in_dim3A_4 : f32 to vector<256x1xf32>
    %broadcast_in_dim3A_6 = arith.constant 0 : i32
    %broadcast_in_dim3A_7 = vector.broadcast %broadcast_in_dim3A_6 : i32 to vector<256x1xi32>
    %get3A_8 = arith.constant 0 : index
    %get3A_9 = arith.constant 0 : index
    %get3A_10 = vector.load %arg3[%get3A_8, %get3A_9] : memref<256x8192xbf16, #tpu.memory_space<vmem>>, vector<256x4096xbf16>
    %get3A_11 = arith.constant 0 : index
    %get3A_12 = vector.load %arg4[%get3A_11] : memref<8192xf32, #tpu.memory_space<vmem>>, vector<4096xf32>
    %dot_general3A = arith.constant dense<0.000000e+00> : vector<256x4096xf32>
    %dot_general3A_13 = tpu.matmul %get3A_1, %get3A_10, %dot_general3A {dimension_numbers = #tpu.dot_dimension_numbers<[1], [0], [0], [1], [0, 0, 1, 1], [], []>, transpose_lhs_hint = false} : vector<256x256xbf16>, vector<256x4096xbf16>, vector<256x4096xf32> -> vector<256x4096xf32>
    %broadcast_in_dim3A_14 = vector.shape_cast %get3A_12 : vector<4096xf32> to vector<1x4096xf32>
    %add3A = vector.broadcast %broadcast_in_dim3A : vector<256x1xf32> to vector<256x4096xf32>
    %add3A_15 = vector.broadcast %broadcast_in_dim3A_14 : vector<1x4096xf32> to vector<256x4096xf32>
    %add3A_16 = arith.addf %add3A, %add3A_15 : vector<256x4096xf32>
    %mul3A = arith.constant 2.000000e+00 : f32
    %mul3A_17 = vector.broadcast %mul3A : f32 to vector<256x4096xf32>
    %mul3A_18 = arith.mulf %mul3A_17, %dot_general3A_13 : vector<256x4096xf32>
    %sub3A = arith.subf %add3A_16, %mul3A_18 : vector<256x4096xf32>
    %reduce_min3A = arith.constant dense<0x7F800000> : vector<256xf32>
    %reduce_min3A_19 = vector.multi_reduction <minimumf>, %sub3A, %reduce_min3A [1] : vector<256x4096xf32> to vector<256xf32>
    %broadcast_in_dim3A_20 = vector.shape_cast %reduce_min3A_19 : vector<256xf32> to vector<256x1xf32>
    %iota3A = tpu.iota {dimensions = array<i32: 1>} : vector<256x4096xi32>
    %eq3A = vector.broadcast %broadcast_in_dim3A_20 : vector<256x1xf32> to vector<256x4096xf32>
    %eq3A_21 = arith.cmpf oeq, %sub3A, %eq3A : vector<256x4096xf32>
    %add3A_22 = arith.constant 0 : i32
    %add3A_23 = vector.broadcast %add3A_22 : i32 to vector<256x4096xi32>
    %add3A_24 = arith.addi %iota3A, %add3A_23 : vector<256x4096xi32>
    %jit3A = arith.constant 1073741824 : i32
    %broadcast_in_dim3A_25 = vector.broadcast %jit3A : i32 to vector<256x4096xi32>
    %select_n3A = arith.select %eq3A_21, %add3A_24, %broadcast_in_dim3A_25 : vector<256x4096xi1>, vector<256x4096xi32>
    %reduce_min3A_26 = arith.constant dense<2147483647> : vector<256xi32>
    %reduce_min3A_27 = vector.multi_reduction <minsi>, %select_n3A, %reduce_min3A_26 [1] : vector<256x4096xi32> to vector<256xi32>
    %broadcast_in_dim3A_28 = vector.shape_cast %reduce_min3A_27 : vector<256xi32> to vector<256x1xi32>
    %lt3A = arith.cmpf olt, %broadcast_in_dim3A_20, %broadcast_in_dim3A_5 : vector<256x1xf32>
    %select_n3A_29 = arith.select %lt3A, %broadcast_in_dim3A_28, %broadcast_in_dim3A_7 : vector<256x1xi1>, vector<256x1xi32>
    %select_n3A_30 = arith.select %lt3A, %broadcast_in_dim3A_20, %broadcast_in_dim3A_5 : vector<256x1xi1>, vector<256x1xf32>
    %convert_element_type3A = arith.truncf %select_n3A_30 : vector<256x1xf32> to vector<256x1xbf16>
    %convert_element_type3A_31 = arith.extf %convert_element_type3A : vector<256x1xbf16> to vector<256x1xf32>
    %get3A_32 = arith.constant 0 : index
    %get3A_33 = arith.constant 4096 : index
    %get3A_34 = vector.load %arg3[%get3A_32, %get3A_33] : memref<256x8192xbf16, #tpu.memory_space<vmem>>, vector<256x4096xbf16>
    %get3A_35 = arith.constant 4096 : index
    %get3A_36 = vector.load %arg4[%get3A_35] : memref<8192xf32, #tpu.memory_space<vmem>>, vector<4096xf32>
    %dot_general3A_37 = arith.constant dense<0.000000e+00> : vector<256x4096xf32>
    %dot_general3A_38 = tpu.matmul %get3A_1, %get3A_34, %dot_general3A_37 {dimension_numbers = #tpu.dot_dimension_numbers<[1], [0], [0], [1], [0, 0, 1, 1], [], []>, transpose_lhs_hint = false} : vector<256x256xbf16>, vector<256x4096xbf16>, vector<256x4096xf32> -> vector<256x4096xf32>
    %broadcast_in_dim3A_39 = vector.shape_cast %get3A_36 : vector<4096xf32> to vector<1x4096xf32>
    %add3A_40 = vector.broadcast %broadcast_in_dim3A : vector<256x1xf32> to vector<256x4096xf32>
    %add3A_41 = vector.broadcast %broadcast_in_dim3A_39 : vector<1x4096xf32> to vector<256x4096xf32>
    %add3A_42 = arith.addf %add3A_40, %add3A_41 : vector<256x4096xf32>
    %mul3A_43 = arith.constant 2.000000e+00 : f32
    %mul3A_44 = vector.broadcast %mul3A_43 : f32 to vector<256x4096xf32>
    %mul3A_45 = arith.mulf %mul3A_44, %dot_general3A_38 : vector<256x4096xf32>
    %sub3A_46 = arith.subf %add3A_42, %mul3A_45 : vector<256x4096xf32>
    %reduce_min3A_47 = arith.constant dense<0x7F800000> : vector<256xf32>
    %reduce_min3A_48 = vector.multi_reduction <minimumf>, %sub3A_46, %reduce_min3A_47 [1] : vector<256x4096xf32> to vector<256xf32>
    %broadcast_in_dim3A_49 = vector.shape_cast %reduce_min3A_48 : vector<256xf32> to vector<256x1xf32>
    %iota3A_50 = tpu.iota {dimensions = array<i32: 1>} : vector<256x4096xi32>
    %eq3A_51 = vector.broadcast %broadcast_in_dim3A_49 : vector<256x1xf32> to vector<256x4096xf32>
    %eq3A_52 = arith.cmpf oeq, %sub3A_46, %eq3A_51 : vector<256x4096xf32>
    %add3A_53 = arith.constant 4096 : i32
    %add3A_54 = vector.broadcast %add3A_53 : i32 to vector<256x4096xi32>
    %add3A_55 = arith.addi %iota3A_50, %add3A_54 : vector<256x4096xi32>
    %jit3A_56 = arith.constant 1073741824 : i32
    %broadcast_in_dim3A_57 = vector.broadcast %jit3A_56 : i32 to vector<256x4096xi32>
    %select_n3A_58 = arith.select %eq3A_52, %add3A_55, %broadcast_in_dim3A_57 : vector<256x4096xi1>, vector<256x4096xi32>
    %reduce_min3A_59 = arith.constant dense<2147483647> : vector<256xi32>
    %reduce_min3A_60 = vector.multi_reduction <minsi>, %select_n3A_58, %reduce_min3A_59 [1] : vector<256x4096xi32> to vector<256xi32>
    %broadcast_in_dim3A_61 = vector.shape_cast %reduce_min3A_60 : vector<256xi32> to vector<256x1xi32>
    %lt3A_62 = arith.cmpf olt, %broadcast_in_dim3A_49, %convert_element_type3A_31 : vector<256x1xf32>
    %select_n3A_63 = arith.select %lt3A_62, %broadcast_in_dim3A_61, %select_n3A_29 : vector<256x1xi1>, vector<256x1xi32>
    %squeeze3A = vector.shape_cast %select_n3A_63 : vector<256x1xi32> to vector<256xi32>
    %swap3A = arith.constant 0 : index
    %swap3A_64 = vector.load %arg5[%swap3A] : memref<256xi32, #tpu.memory_space<vmem>>, vector<256xi32>
    tpu.vector_store %arg5[%swap3A], %squeeze3A {strides = array<i32>} : memref<256xi32, #tpu.memory_space<vmem>>, vector<256xi32>,
    return
  }
  func.func @transform_0(%arg0: i32) -> (i32, i32) {
    %c0_i32 = arith.constant 0 : i32
    %c0_i32_0 = arith.constant 0 : i32
    return %arg0, %c0_i32 : i32, i32
  }
  func.func @transform_1(%arg0: i32) -> i32 {
    %c0_i32 = arith.constant 0 : i32
    return %arg0 : i32
  }
  func.func @transform_2(%arg0: i32) -> (i32, i32) {
    %c0_i32 = arith.constant 0 : i32
    %c0_i32_0 = arith.constant 0 : i32
    %c0_i32_1 = arith.constant 0 : i32
    return %c0_i32, %c0_i32_0 : i32, i32
  }
  func.func @transform_3(%arg0: i32) -> i32 {
    %c0_i32 = arith.constant 0 : i32
    %c0_i32_0 = arith.constant 0 : i32
    return %c0_i32 : i32
  }
  func.func @transform_4(%arg0: i32) -> i32 {
    %c0_i32 = arith.constant 0 : i32
    return %arg0 : i32
  }
}

</mosaic_0001>

<sc_bundles>
// kernel: kernel.4.cloned.1.call-start
scs
__scs_entry_jumppad:
0x0: {  	(pc) =	sbr.rel $0x88, $3  }
0x1: {  	(tag) =	ssettag $0x0;
	lr =	simm.s32 $0x1  }
0x2: {  	[smem:$0x3F9F] =	sst lr;
	_ =	strace $0xD0000000  }
0x3: {  	_ = 	snop  }
0x4: {  	_ = 	snop  }
0x5: {  	_ = 	snop  }
0x6: {  	_ = 	snop  }
0x7: {  	_ = 	snop  }
__scs_overlays_trampoline_lowered:
0x8: {  	[smem:$0x3FAE] =	sst s0  }
0x9: {  	[smem:$0x3FAF] =	sst s1  }
0xa: {  	[smem:$0x3FB0] =	sst s2  }
0xb: {  	[smem:$0x3FB1] =	sst s3  }
0xc: {  	[smem:$0x3FB2] =	sst s4  }
0xd: {  	[smem:$0x3FB3] =	sst s5  }
0xe: {  	[smem:$0x3FB4] =	sst s6  }
0xf: {  	[smem:$0x3FB5] =	sst s7  }
0x10: {  	[smem:$0x3FB6] =	sst s8  }
0x11: {  	[smem:$0x3FB7] =	sst s9;
	s0 =	simm.s32 @!p0 $0x0  }
0x12: {  	s1 =	sld [smem:$0x3F9D];
	s0 =	simm.s32 @p0 $0x1  }
0x13: {  	[smem:$0x3FB8] =	sst s0;
	s0 =	simm.s32 @!p1 $0x0  }
0x14: {  	s2 =	sld [smem:$0x3F9C];
	s0 =	simm.s32 @p1 $0x1  }
0x15: {  	[smem:$0x3FB9] =	sst s0;
	s0 =	simm.s32 @!p2 $0x0  }
0x16: {  	s3 =	sld [smem:$0x3FDB];
	s0 =	simm.s32 @p2 $0x1  }
0x17: {  	s4 =	simm.s32 $0x1BF5;
	[smem:$0x3FBB] =	sst s0  }
0x18: {  	s0 =	sld [smem:$0x3F9E];
	_ =	swait.ge [sflag:s4], $0x0  }
0x19: {  	s7 =	sld [smem:$0x3F9F]  }
0x1a: {  	s8 =	sadd.s32 $0xFFFFE003, lr  }
0x1b: {  	s9 =	sadd.s32 $0xFFFFFEF7, lr;
	s5 =	simm.s32 $0xFFFFFFFF;
	p2 =	slt.u32 s8, $0xFFFFF086  }
0x1c: {  	p1 =	slt.u32 s9, $0xF7A;
	s5 =	simm.s32 @!p2 $0x0  }
0x1d: {  	s5 =	simm.s32 @p1 $0x1;
	p0 =	seq.s32 s7, s2  }
0x1e: {  	s7 =	smul.u32 @!p0 $0xF7A, s2;
	p2 =	seq.s32 @!p0 s5, $0x0  }
0x1f: {  	s9 =	smul.u32 $0xF7A, s1;
	s8 =	simm.s32 @!p0 $0x1BF5;
	p2 =	por !p2, p0  }
0x20: {  	[sflag:s8] =	ssyncset.s32 @!p0 $0xFFFFF086;
	s6 =	sadd.s32 @!p0 s3, s7;
	s7 =	simm.s32 @!p0 $0x108  }
0x21: {  	s3 =	sadd.s32 s3, s9;
	s6 =	sadd.s32 @!p0 $0x88, s6;
	s7 =	simm.s32 @p2 $0x1082  }
0x22: {  	[simem:s7], [sflag:s8] =	dma.local @!p0 [hbm:s6], $0xF7A  }
0x23: {  	s9 =	sor.u32 $0xD0000000, s2;
	s6 =	simm.s32 $0x108;
	_ =	swait.ge @!p0 [sflag:s8], $0x0  }
0x24: {  	s3 =	sadd.s32 $0x88, s3;
	s6 =	simm.s32 @!p1 $0x1082;
	[sflag:s4] =	ssyncset.s32 $0xFFFFF086  }
0x25: {  	[simem:s6], [sflag:s4] =	dma.local [hbm:s3], $0xF7A  }
0x26: {  	[smem:$0x3F9F] =	sst s1;
	(tag) =	ssettag s2;
	_ =	strace s9  }
0x27: {  	s1 =	sld [smem:$0x3FAF]  }
0x28: {  	s2 =	sld [smem:$0x3FB0]  }
0x29: {  	s4 =	sld [smem:$0x3FB2]  }
0x2a: {  	p0 =	seq.s32 s5, $0x0;
	s5 =	sld [smem:$0x3FB3]  }
0x2b: {  	s6 =	sld [smem:$0x3FB4]  }
0x2c: {  	s7 =	sld [smem:$0x3FB5]  }
0x2d: {  	s3 =	simm.s32 $0x108;
	s8 =	sld [smem:$0x3FB6]  }
0x2e: {  	s3 =	simm.s32 @!p0 $0x1082;
	s9 =	sld [smem:$0x3FB7]  }
0x2f: {  	lr =	sadd.s32 s0, s3;
	s0 =	sld [smem:$0x3FAE]  }
0x30: {  	s3 =	sld [smem:$0x3FB1]  }
0x31: {  	[smem:$0x3FBA] =	sst s10  }
0x32: {  	s10 =	sld [smem:$0x3FB8];
	_ =	sdelay $0x3  }
0x33: {  	p0 =	seq.s32 s10, $0x1;
	s10 =	sld [smem:$0x3FBA];
	_ =	sdelay $0x3  }
0x34: {  	[smem:$0x3FBA] =	sst s10  }
0x35: {  	s10 =	sld [smem:$0x3FB9];
	_ =	sdelay $0x3  }
0x36: {  	p1 =	seq.s32 s10, $0x1;
	s10 =	sld [smem:$0x3FBA];
	_ =	sdelay $0x3  }
0x37: {  	[smem:$0x3FBA] =	sst s10  }
0x38: {  	s10 =	sld [smem:$0x3FBB]  }
0x39: {  	_ = 	snop;
	(pc) =	sbr.ind lr, $3  }
0x3a: {  	_ = 	snop  }
0x3b: {  	_ = 	snop  }
0x3c: {  	p2 =	seq.s32 s10, $0x1;
	s10 =	sld [smem:$0x3FBA]  }
0x3d: {  	_ =	shalt  }
0x3e: {  	_ =	shalt  }
0x3f: {  	_ =	shalt  }
0x40: {  	_ =	shalt  }
0x41: {  	_ =	shalt  }
0x42: {  	_ =	shalt  }
0x43: {  	_ =	shalt  }
0x44: {  	_ =	shalt  }
0x45: {  	_ =	shalt  }
0x46: {  	_ =	shalt  }
0x47: {  	_ =	shalt  }
0x48: {  	_ =	shalt  }
0x49: {  	_ =	shalt  }
0x4a: {  	_ =	shalt  }
0x4b: {  	_ =	shalt  }
0x4c: {  	_ =	shalt  }
0x4d: {  	_ =	shalt  }
0x4e: {  	_ =	shalt  }
0x4f: {  	_ =	shalt  }
0x50: {  	_ =	shalt  }
0x51: {  	_ =	shalt  }
0x52: {  	_ =	shalt  }
0x53: {  	_ =	shalt  }
0x54: {  	_ =	shalt  }
0x55: {  	_ =	shalt  }
0x56: {  	_ =	shalt  }
0x57: {  	_ =	shalt  }
0x58: {  	_ =	shalt  }
0x59: {  	_ =	shalt  }
0x5a: {  	_ =	shalt  }
0x5b: {  	_ =	shalt  }
0x5c: {  	_ =	shalt  }
0x5d: {  	_ =	shalt  }
0x5e: {  	_ =	shalt  }
0x5f: {  	_ =	shalt  }
0x60: {  	_ =	shalt  }
0x61: {  	_ =	shalt  }
0x62: {  	_ =	shalt  }
0x63: {  	_ =	shalt  }
0x64: {  	_ =	shalt  }
0x65: {  	_ =	shalt  }
0x66: {  	_ =	shalt  }
0x67: {  	_ =	shalt  }
0x68: {  	_ =	shalt  }
0x69: {  	_ =	shalt  }
0x6a: {  	_ =	shalt  }
0x6b: {  	_ =	shalt  }
0x6c: {  	_ =	shalt  }
0x6d: {  	_ =	shalt  }
0x6e: {  	_ =	shalt  }
0x6f: {  	_ =	shalt  }
0x70: {  	_ =	shalt  }
0x71: {  	_ =	shalt  }
0x72: {  	_ =	shalt  }
0x73: {  	_ =	shalt  }
0x74: {  	_ =	shalt  }
0x75: {  	_ =	shalt  }
0x76: {  	_ =	shalt  }
0x77: {  	_ =	shalt  }
0x78: {  	_ =	shalt  }
0x79: {  	_ =	shalt  }
0x7a: {  	_ =	shalt  }
0x7b: {  	_ =	shalt  }
0x7c: {  	_ =	shalt  }
0x7d: {  	_ =	shalt  }
0x7e: {  	_ =	shalt  }
0x7f: {  	_ =	shalt  }
0x80: {  	_ =	shalt  }
0x81: {  	_ =	shalt  }
0x82: {  	_ =	shalt  }
0x83: {  	_ =	shalt  }
0x84: {  	_ =	shalt  }
0x85: {  	_ =	shalt  }
0x86: {  	_ =	shalt  }
0x87: {  	_ =	shalt  }
.Lfunc_end0:
.L_simem_size_0:
called_computation_lowered:
.L_overlay_start_0:
0x88: {  	s2 =	sld [smem:$0x3FD9]  }
0x89: {  	s3 =	sld [smem:$0x3FFE];
	_ =	sdelay $0x1  }
0x8a: {  	s1 =	srdreg.scid  }
0x8b: {  	s0 =	sand.u32 $0x1, s1  }
0x8c: {  	s14 =	sshll.u32 s0, $0xA;
	s2 =	sadd.s32 s3, s2  }
0x8d: {  	s2 =	sadd.s32 s2, s14  }
0x8e: {  	[smem:$0x3FC6] =	sst s2  }
0x8f: {  	_ = 	snop  }
0x90: {  	s2 =	sld [smem:$0x3FD0];
	_ =	sdelay $0x1  }
0x91: {  	s15 =	sld [smem:$0x3FC9]  }
0x92: {  	s5 =	simm.s32 $0xA;
	s6 =	simm.s32 $0x10;
	s4 =	sld [smem:$0x3FC8]  }
0x93: {  	[smem:s6], [sflag:s5] =	dma.local [hbm:s2], $0x1  }
0x94: {  	_ =	swait.eq [sflag:s5], $0x1  }
0x95: {  	[sflag:s5] =	ssyncset.done $0x0  }
0x96: {  	s16 =	sld [smem:$0x10];
	[sflag:s5] =	ssyncadd.s32 $0xFFFFFFFF  }
0x97: {  	s17 =	sld [smem:$0x13];
	(tm) =	ssettm $0x1  }
0x98: {  	s18 =	sld [smem:$0x3FFB];
	_ =	sdelay $0x3  }
0x99: {  	_ =	strace s18  }
0x9a: {  	s6 =	sld [smem:$0x3FFC];
	_ =	sdelay $0x3  }
0x9b: {  	_ =	strace s6  }
0x9c: {  	s6 =	sld [smem:$0x3FFD];
	_ =	sdelay $0x3  }
0x9d: {  	_ =	strace s6  }
0x9e: {  	_ =	strace $0x8FFFFFFF  }
0x9f: {  	s19 =	sld [smem:$0x3FDB];
	_ =	sdelay $0x1  }
0xa0: {  	s7 =	simm.s32 $_scs_section_size  }
0xa1: {  	s8 =	simm.s32 $_size__tile_overlayer_lowered;
	s9 =	simm.s32 $_tile_overlayer_lowered  }
0xa2: {  	s22 =	simm.s32 $0x1BFF;
	s21 =	sshll.u32 s9, $0x1;
	s6 =	sadd.s32 s7, s19  }
0xa3: {  	s10 =	simm.s32 $0x0;
	s20 =	sshll.u32 s8, $0x1;
	s8 =	sadd.s32 s21, s6  }
0xa4: {  	[timem:s10], [sflag:s22] =	dma.local [hbm:s8], s20  }
0xa5: {  	_ =	swait.ge [sflag:s22], s20  }
0xa6: {  	s7 =	ssub.s32 $0x0, s20;
	[sflag:s22] =	ssyncset.done $0x0  }
0xa7: {  	[sflag:s22] =	ssyncadd.s32 s7;
	_ =	sdelay $0x1  }
0xa8: {  	s23 =	simm.s32 $0x1B8B  }
0xa9: {  	_ =	swait.ge [sflag:s23], $0x1  }
0xaa: {  	[sflag:s23] =	ssyncset.done $0x0  }
0xab: {  	s25 =	simm.s32 $0x1B8E;
	s24 =	sld [smem:$0x3FFE];
	[sflag:s23] =	ssyncadd.s32 $0xFFFFFFFF  }
0xac: {  	s26 =	simm.s32 $execute0_lowered;
	[smem:$0x3FD2] =	sst s25  }
0xad: {  	s8 =	sshll.u32 s26, $0x1;
	_ =	strace $0x80000046;
	[dreg:$0x1] =	wrdreg $0xFFFFFFFF  }
0xae: {  	s28 =	simm.s32 $_size_execute0_lowered;
	s6 =	sadd.s32 s6, s8;
	[dreg:$0x0] =	wrdreg $0x0  }
0xaf: {  	s8 =	sshll.u32 s28, $0x1;
	[dreg:$0x2] =	wrdreg s6  }
0xb0: {  	[dreg:$0x3] =	wrdreg s8  }
0xb1: {  	[dreg:$0x4] =	wrdreg $0xC0  }
0xb2: {  	_ =	task [dreg:s10], $0x5FFFF  }
0xb3: {  	[dreg:$0x1] =	wrdreg $0xFFFFFFFF  }
0xb4: {  	[dreg:$0x0] =	wrdreg $0x60  }
0xb5: {  	[dreg:$0x2] =	wrdreg s4  }
0xb6: {  	[dreg:$0x3] =	wrdreg s17  }
0xb7: {  	[dreg:$0x4] =	wrdreg s15  }
0xb8: {  	[dreg:$0x5] =	wrdreg s16  }
0xb9: {  	[dreg:$0x6] =	wrdreg s24  }
0xba: {  	[dreg:$0x7] =	wrdreg $0x9  }
0xbb: {  	_ =	task.clear_ibuf [dreg:s10], $0x8FFFF;
	_ =	strace $0x90000046  }
0xbc: {  	s29 =	simm.s32 $0x9;
	_ =	strace $0x80000048  }
0xbd: {  	_ =	swait.ge [sflag:s29], $0x1  }
0xbe: {  	[sflag:s29] =	ssyncadd.s32 $0xFFFFFFFF  }
0xbf: {  	_ =	strace $0x90000048  }
0xc0: {  	_ =	sfence  }
0xc1: {  	s30 =	sld [smem:$0x0];
	_ =	sdelay $0x2  }
0xc2: {  	s31 =	sshll.u32 s1, $0xD;
	s1 =	sshrl.u32 s1, $0x2  }
0xc3: {  	s3 =	sand.u32 $0x4000, s31;
	s1 =	sadd.s32 s1, s30  }
0xc4: {  	s0 =	sor.u32 s3, s0;
	s1 =	sshll.u32 s1, $0x11  }
0xc5: {  	s0 =	sor.u32 s1, s0  }
0xc6: {  	s0 =	sadd.s32 $0x8F2B, s0  }
0xc7: {  	[sflag:s0] =	ssyncadd.remote.s32 $0x1  }
0xc8: {  	_ =	sfence.sel $0xFFFF  }
0xc9: {  	[dreg:$0x0] =	wrdreg $0xFFFFFFFF;
	(pc) =	sbr.abs _section_cstart, $3  }
0xca: {  	[dreg:$0x1] =	wrdreg $0xFFFFFFFF  }
0xcb: {  	_ =	task.clear_ibuf [dreg:s10], $0x2FFFF;
	_ =	strace $0x9FFFFFFF  }
0xcc: {  	(tm) =	ssettm $0x7FFFFFFF  }
0xcd: {  	_ =	shalt  }
tec
execute0_lowered:
.L_overlay_start_1:
0x0: {  	(tag) =	ssettag $0x1  }
0x1: {  	s1 =	rddreg [dreg:$0x0]  }
0x2: {  	s5 =	rddreg [dreg:$0x3]  }
0x3: {  	s0 =	rddreg [dreg:$0x4];
	s2 =	srdreg.scid  }
0x4: {  	s3 =	stileid.u32;
	s6 =	simm.s32 $0x0;
	s10 =	simm.s32 $0x2  }
0x5: {  	s11 =	simm.s32 $0x80;
	s12 =	simm.s32 $0x880;
	s13 =	simm.s32 $0x1080  }
0x6: {  	s14 =	simm.s32 $0x1880;
	s15 =	simm.s32 $0x2080;
	s16 =	simm.s32 $0x2880  }
0x7: {  	s17 =	simm.s32 $0x3080;
	s18 =	simm.s32 $0x3880;
	s19 =	simm.s32 $0x4080  }
0x8: {  	s20 =	simm.s32 $0x4880;
	s21 =	simm.s32 $0x5080;
	s22 =	simm.s32 $0x5880  }
0x9: {  	s23 =	simm.s32 $0x6080;
	s24 =	simm.s32 $0x6880;
	s25 =	simm.s32 $0x7080  }
0xa: {  	s26 =	simm.s32 $0x7880;
	s2 =	sand.u32 $0x1, s2;
	s7 =	sshll.u32 s3, $0x1  }
0xb: {  	s28 =	simm.s32 $0x8080;
	s4 =	ssub.s32 $0x2, s2;
	s2 =	sor.u32 s2, s7  }
0xc: {  	s29 =	simm.s32 $0x1;
	s8 =	sshrl.u32 s4, $0x1;
	s30 =	sshll.u32 s2, $0x4  }
0xd: {  	v2 =	vlaneseq.u32;
	[smem:$0x7FF] =	sst s6;
	s4 =	ssub.s32 s4, s8;
	s0 =	sadd.s32 s0, s30  }
0xe: {  	vm0 =	vmmov $0xffff;
	v1 =	vshrl.u32 v2, $0x3;
	_ =	strace $0x80000047;
	[dreg:$0x6] =	wrdreg s0;
	s31 =	smax.u32 s4, $0x1  }
0xf: {  	v0 =	vand.u32 $0x7, v2;
	v2 =	vor.u32 $0x8, v2;
	v1 =	vmul.u32 $0x8, v1;
	s7 =	sshll.u32 s2, $0x9;
	s2 =	simm.s32 $0x0;
	[dreg:$0x7] =	wrdreg s31  }
.LBB2_1:
0x10: {  	[dreg:$0x8] =	wrdreg s2;
	v3 =	vimm.f32 $0.0e+00;
	s0 =	simm.s32 $0x0  }
.LBB2_2:
0x11: {  	s2 =	sshll.u32 s0, $0x7  }
0x12: {  	s4 =	sadd.s32 s7, s2  }
0x13: {  	s3 =	rddreg [dreg:$0x1];
	s2 =	sshrl.u32 s4, $0x3  }
0x14: {  	s8 =	simm.s32 $0x0;
	s2 =	sadd.s32 s3, s2  }
0x15: {  	[tilespmem:s8], [sflag:$0x2] =	stream.linear.gather [hbm4b:s2+s8], $0x80, $0x38;
	[tilespmem:$0x10100] =	vst v63  }
0x16: {  	_ =	swait.ge [sflag:s10], $0x80  }
0x17: {  	[sflag:s10] =	ssyncset.done $0x0  }
0x18: {  	[sflag:s10] =	ssyncadd.s32 $0xFFFFFF80  }
0x19: {  	v4 =	vld [tilespmem:$0x0];
	_ =	sdelay $0x4  }
0x1a: {  	v5 =	vshll.u32 v4, $0x1  }
0x1b: {  	v4 =	vand.u32 $0x7, v4;
	v5 =	vand.u32 $0xFFFFFFF0, v5  }
0x1c: {  	v4 =	vor.u32 v4, v5  }
0x1d: {  	v5 =	vperm.xlane v4, v0;
	_ =	sdelay $0x1  }
0x1e: {  	v4 =	vperm.xlane v4, v2;
	v5 =	vadd.s32 v1, v5;
	_ =	sdelay $0x1  }
0x1f: {  	v4 =	vadd.s32 v1, v4;
	_ =	sdelay $0x2  }
0x20: {  	[tilespmem:s11], [sflag:$0x1] =	stream.indirect_vreg.gather [hbm4b:s1+s8], $0x80, v5, vm0, $0xb8;
	[tilespmem:$0x10100] =	vst v63  }
0x21: {  	_ = 	snop  }
0x22: {  	[tilespmem:s12], [sflag:$0x1] =	stream.indirect_vreg.gather [hbm4b:s1+s8], $0x80, v4, vm0, $0xb8;
	[tilespmem:$0x10100] =	vst v63  }
0x23: {  	v4 =	vld [tilespmem:$0x10];
	_ =	sdelay $0x4  }
0x24: {  	v5 =	vshll.u32 v4, $0x1  }
0x25: {  	v4 =	vand.u32 $0x7, v4;
	v5 =	vand.u32 $0xFFFFFFF0, v5  }
0x26: {  	v4 =	vor.u32 v4, v5  }
0x27: {  	v5 =	vperm.xlane v4, v0;
	_ =	sdelay $0x1  }
0x28: {  	v4 =	vperm.xlane v4, v2;
	v5 =	vadd.s32 v1, v5;
	_ =	sdelay $0x1  }
0x29: {  	v4 =	vadd.s32 v1, v4;
	_ =	sdelay $0x2  }
0x2a: {  	[tilespmem:s13], [sflag:$0x1] =	stream.indirect_vreg.gather [hbm4b:s1+s8], $0x80, v5, vm0, $0xb8;
	[tilespmem:$0x10100] =	vst v63  }
0x2b: {  	_ = 	snop  }
0x2c: {  	[tilespmem:s14], [sflag:$0x1] =	stream.indirect_vreg.gather [hbm4b:s1+s8], $0x80, v4, vm0, $0xb8;
	[tilespmem:$0x10100] =	vst v63  }
0x2d: {  	v4 =	vld [tilespmem:$0x20];
	_ =	sdelay $0x4  }
0x2e: {  	v5 =	vshll.u32 v4, $0x1  }
0x2f: {  	v4 =	vand.u32 $0x7, v4;
	v5 =	vand.u32 $0xFFFFFFF0, v5  }
0x30: {  	v4 =	vor.u32 v4, v5  }
0x31: {  	v5 =	vperm.xlane v4, v0;
	_ =	sdelay $0x1  }
0x32: {  	v4 =	vperm.xlane v4, v2;
	v5 =	vadd.s32 v1, v5;
	_ =	sdelay $0x1  }
0x33: {  	v4 =	vadd.s32 v1, v4;
	_ =	sdelay $0x2  }
0x34: {  	[tilespmem:s15], [sflag:$0x1] =	stream.indirect_vreg.gather [hbm4b:s1+s8], $0x80, v5, vm0, $0xb8;
	[tilespmem:$0x10100] =	vst v63  }
0x35: {  	_ = 	snop  }
0x36: {  	[tilespmem:s16], [sflag:$0x1] =	stream.indirect_vreg.gather [hbm4b:s1+s8], $0x80, v4, vm0, $0xb8;
	[tilespmem:$0x10100] =	vst v63  }
0x37: {  	v4 =	vld [tilespmem:$0x30];
	_ =	sdelay $0x4  }
0x38: {  	v5 =	vshll.u32 v4, $0x1  }
0x39: {  	v4 =	vand.u32 $0x7, v4;
	v5 =	vand.u32 $0xFFFFFFF0, v5  }
0x3a: {  	v4 =	vor.u32 v4, v5  }
0x3b: {  	v5 =	vperm.xlane v4, v0;
	_ =	sdelay $0x1  }
0x3c: {  	v4 =	vperm.xlane v4, v2;
	v5 =	vadd.s32 v1, v5;
	_ =	sdelay $0x1  }
0x3d: {  	v4 =	vadd.s32 v1, v4;
	_ =	sdelay $0x2  }
0x3e: {  	[tilespmem:s17], [sflag:$0x1] =	stream.indirect_vreg.gather [hbm4b:s1+s8], $0x80, v5, vm0, $0xb8;
	[tilespmem:$0x10100] =	vst v63  }
0x3f: {  	_ = 	snop  }
0x40: {  	[tilespmem:s18], [sflag:$0x1] =	stream.indirect_vreg.gather [hbm4b:s1+s8], $0x80, v4, vm0, $0xb8;
	[tilespmem:$0x10100] =	vst v63  }
0x41: {  	v4 =	vld [tilespmem:$0x40];
	_ =	sdelay $0x4  }
0x42: {  	v5 =	vshll.u32 v4, $0x1  }
0x43: {  	v4 =	vand.u32 $0x7, v4;
	v5 =	vand.u32 $0xFFFFFFF0, v5  }
0x44: {  	v4 =	vor.u32 v4, v5  }
0x45: {  	v5 =	vperm.xlane v4, v0;
	_ =	sdelay $0x1  }
0x46: {  	v4 =	vperm.xlane v4, v2;
	v5 =	vadd.s32 v1, v5;
	_ =	sdelay $0x1  }
0x47: {  	v4 =	vadd.s32 v1, v4;
	_ =	sdelay $0x2  }
0x48: {  	[tilespmem:s19], [sflag:$0x1] =	stream.indirect_vreg.gather [hbm4b:s1+s8], $0x80, v5, vm0, $0xb8;
	[tilespmem:$0x10100] =	vst v63  }
0x49: {  	_ = 	snop  }
0x4a: {  	[tilespmem:s20], [sflag:$0x1] =	stream.indirect_vreg.gather [hbm4b:s1+s8], $0x80, v4, vm0, $0xb8;
	[tilespmem:$0x10100] =	vst v63  }
0x4b: {  	v4 =	vld [tilespmem:$0x50];
	_ =	sdelay $0x4  }
0x4c: {  	v5 =	vshll.u32 v4, $0x1  }
0x4d: {  	v4 =	vand.u32 $0x7, v4;
	v5 =	vand.u32 $0xFFFFFFF0, v5  }
0x4e: {  	v4 =	vor.u32 v4, v5  }
0x4f: {  	v5 =	vperm.xlane v4, v0;
	_ =	sdelay $0x1  }
0x50: {  	v4 =	vperm.xlane v4, v2;
	v5 =	vadd.s32 v1, v5;
	_ =	sdelay $0x1  }
0x51: {  	v4 =	vadd.s32 v1, v4;
	_ =	sdelay $0x2  }
0x52: {  	[tilespmem:s21], [sflag:$0x1] =	stream.indirect_vreg.gather [hbm4b:s1+s8], $0x80, v5, vm0, $0xb8;
	[tilespmem:$0x10100] =	vst v63  }
0x53: {  	_ = 	snop  }
0x54: {  	[tilespmem:s22], [sflag:$0x1] =	stream.indirect_vreg.gather [hbm4b:s1+s8], $0x80, v4, vm0, $0xb8;
	[tilespmem:$0x10100] =	vst v63  }
0x55: {  	v4 =	vld [tilespmem:$0x60];
	_ =	sdelay $0x4  }
0x56: {  	v5 =	vshll.u32 v4, $0x1  }
0x57: {  	v4 =	vand.u32 $0x7, v4;
	v5 =	vand.u32 $0xFFFFFFF0, v5  }
0x58: {  	v4 =	vor.u32 v4, v5  }
0x59: {  	v5 =	vperm.xlane v4, v0;
	_ =	sdelay $0x1  }
0x5a: {  	v4 =	vperm.xlane v4, v2;
	v5 =	vadd.s32 v1, v5;
	_ =	sdelay $0x1  }
0x5b: {  	v4 =	vadd.s32 v1, v4;
	_ =	sdelay $0x2  }
0x5c: {  	[tilespmem:s23], [sflag:$0x1] =	stream.indirect_vreg.gather [hbm4b:s1+s8], $0x80, v5, vm0, $0xb8;
	[tilespmem:$0x10100] =	vst v63  }
0x5d: {  	_ = 	snop  }
0x5e: {  	[tilespmem:s24], [sflag:$0x1] =	stream.indirect_vreg.gather [hbm4b:s1+s8], $0x80, v4, vm0, $0xb8;
	[tilespmem:$0x10100] =	vst v63  }
0x5f: {  	v4 =	vld [tilespmem:$0x70];
	_ =	sdelay $0x4  }
0x60: {  	v5 =	vshll.u32 v4, $0x1  }
0x61: {  	v4 =	vand.u32 $0x7, v4;
	v5 =	vand.u32 $0xFFFFFFF0, v5  }
0x62: {  	v4 =	vor.u32 v4, v5  }
0x63: {  	v5 =	vperm.xlane v4, v0;
	_ =	sdelay $0x1  }
0x64: {  	v4 =	vperm.xlane v4, v2;
	v5 =	vadd.s32 v1, v5;
	_ =	sdelay $0x1  }
0x65: {  	v4 =	vadd.s32 v1, v4;
	_ =	sdelay $0x2  }
0x66: {  	[tilespmem:s25], [sflag:$0x1] =	stream.indirect_vreg.gather [hbm4b:s1+s8], $0x80, v5, vm0, $0xb8;
	[tilespmem:$0x10100] =	vst v63  }
0x67: {  	s4 =	sshll.u32 s4, $0x5;
	s9 =	rddreg [dreg:$0x2]  }
0x68: {  	[tilespmem:s26], [sflag:$0x1] =	stream.indirect_vreg.gather [hbm4b:s1+s8], $0x80, v4, vm0, $0xb8;
	[tilespmem:$0x10100] =	vst v63  }
0x69: {  	s2 =	sadd.s32 s9, s4  }
0x6a: {  	[tilespmem:s28], [sflag:$0x2] =	stream.linear.gather [hbm4b:s2+s8], $0x8000, $0x38;
	[tilespmem:$0x10100] =	vst v63  }
0x6b: {  	_ =	swait.ge [sflag:s10], $0x8000  }
0x6c: {  	[sflag:s10] =	ssyncset.done $0x0  }
0x6d: {  	[sflag:s10] =	ssyncadd.s32 $0xFFFF8000  }
0x6e: {  	_ =	swait.ge [sflag:s29], $0x8000  }
0x6f: {  	s31 =	sand.u32 $0x7800, s8;
	s8 =	sand.u32 $0x380, s8;
	[sflag:s29] =	ssyncset.done $0x0  }
0x70: {  	s30 =	sor.u32 s8, s31;
	[sflag:s29] =	ssyncadd.s32 $0xFFFF8000  }
0x71: {  	v4 =	vld [tilespmem:s30+$0x80]  }
0x72: {  	v5 =	vld [tilespmem:s30+$0x8080]  }
0x73: {  	v6 =	vld [tilespmem:s30+$0x90]  }
0x74: {  	v7 =	vld [tilespmem:s30+$0x8090]  }
0x75: {  	v8 =	vld [tilespmem:s30+$0xA0]  }
0x76: {  	v9 =	vld [tilespmem:s30+$0x80A0]  }
0x77: {  	v10 =	vld [tilespmem:s30+$0xB0];
	v4 =	vsub.f32 v4, v5  }
0x78: {  	v11 =	vld [tilespmem:s30+$0x80B0]  }
0x79: {  	v12 =	vld [tilespmem:s30+$0xC0];
	v6 =	vsub.f32 v6, v7;
	v5 =	vadd.f32 v4, v5  }
0x7a: {  	v13 =	vld [tilespmem:s30+$0x80C0];
	v4 =	vmul.f32 v4, v4  }
0x7b: {  	[tilespmem:s30+$0x80] =	vst v5;
	v5 =	vadd.f32 v6, v7;
	v7 =	vld [tilespmem:s30+$0xD0]  }
0x7c: {  	v8 =	vsub.f32 v8, v9;
	v6 =	vmul.f32 v6, v6;
	v3 =	vadd.f32 v4, v3;
	v4 =	vld [tilespmem:s30+$0x80D0]  }
0x7d: {  	[tilespmem:s30+$0x90] =	vst v5;
	v5 =	vsub.f32 v10, v11;
	v10 =	vld [tilespmem:s30+$0xE0]  }
0x7e: {  	v9 =	vadd.f32 v8, v9;
	v3 =	vadd.f32 v6, v3;
	v6 =	vmul.f32 v8, v8;
	v8 =	vld [tilespmem:s30+$0x80E0]  }
0x7f: {  	v14 =	vld [tilespmem:s30+$0xF0];
	v12 =	vsub.f32 v12, v13;
	v11 =	vadd.f32 v5, v11  }
0x80: {  	[tilespmem:s30+$0xA0] =	vst v9;
	v5 =	vmul.f32 v5, v5;
	v3 =	vadd.f32 v6, v3;
	v6 =	vld [tilespmem:s30+$0x80F0]  }
0x81: {  	v9 =	vadd.f32 v12, v13;
	v7 =	vsub.f32 v7, v4;
	[tilespmem:s30+$0xB0] =	vst v11;
	v11 =	vld [tilespmem:s30+$0x480]  }
0x82: {  	v12 =	vmul.f32 v12, v12;
	v3 =	vadd.f32 v5, v3;
	v5 =	vld [tilespmem:s30+$0x8480]  }
0x83: {  	[tilespmem:s30+$0xC0] =	vst v9;
	v4 =	vadd.f32 v7, v4;
	v9 =	vsub.f32 v10, v8;
	v10 =	vld [tilespmem:s30+$0x490]  }
0x84: {  	v7 =	vmul.f32 v7, v7;
	v3 =	vadd.f32 v12, v3;
	v12 =	vld [tilespmem:s30+$0x8490]  }
0x85: {  	v13 =	vld [tilespmem:s30+$0x4A0];
	[tilespmem:s30+$0xD0] =	vst v4;
	v4 =	vadd.f32 v9, v8;
	v8 =	vsub.f32 v14, v6  }
0x86: {  	v9 =	vmul.f32 v9, v9;
	v14 =	vld [tilespmem:s30+$0x84A0];
	v3 =	vadd.f32 v7, v3  }
0x87: {  	v15 =	vld [tilespmem:s30+$0x4B0];
	[tilespmem:s30+$0xE0] =	vst v4;
	v4 =	vadd.f32 v8, v6;
	v6 =	vsub.f32 v11, v5  }
0x88: {  	v7 =	vmul.f32 v8, v8;
	v8 =	vld [tilespmem:s30+$0x4C0];
	v9 =	vadd.f32 v9, v3  }
0x89: {  	v3 =	vld [tilespmem:s30+$0x84B0];
	[tilespmem:s30+$0xF0] =	vst v4;
	v4 =	vadd.f32 v6, v5;
	v5 =	vsub.f32 v10, v12  }
0x8a: {  	v11 =	vmul.f32 v6, v6;
	v6 =	vld [tilespmem:s30+$0x84C0];
	v7 =	vadd.f32 v7, v9  }
0x8b: {  	v10 =	vld [tilespmem:s30+$0x4D0];
	v9 =	vsub.f32 v13, v14;
	[tilespmem:s30+$0x480] =	vst v4;
	v4 =	vadd.f32 v5, v12  }
0x8c: {  	v13 =	vmul.f32 v5, v5;
	v16 =	vadd.f32 v11, v7;
	v7 =	vld [tilespmem:s30+$0x84D0]  }
0x8d: {  	v11 =	vld [tilespmem:s30+$0x4E0];
	[tilespmem:s30+$0x490] =	vst v4;
	v4 =	vadd.f32 v9, v14  }
0x8e: {  	s9 =	simm.s32 $0x100;
	s8 =	simm.s32 $0x80;
	v12 =	vmul.f32 v9, v9;
	v5 =	vsub.f32 v15, v3;
	v9 =	vld [tilespmem:s30+$0x84E0];
	v13 =	vadd.f32 v13, v16  }
.LBB2_3:
0x8f: {  	s2 =	smov.u32 s9  }
0x90: {  	s31 =	sand.u32 $0x7800, s9;
	s3 =	sand.u32 $0x380, s8;
	v14 =	vmul.f32 v5, v5;
	v8 =	vsub.f32 v8, v6;
	v15 =	vld [tilespmem:s30+$0x4F0];
	s2 =	sadd.s32 $0x100, s9  }
0x91: {  	p0 =	sne.s32 s9, $0x7F00;
	s31 =	sor.u32 s3, s31;
	v12 =	vadd.f32 v12, v13;
	v13 =	vld [tilespmem:s30+$0x84F0]  }
0x92: {  	v17 =	vmul.f32 v8, v8;
	v6 =	vadd.f32 v8, v6;
	v8 =	vsub.f32 v10, v7;
	v16 =	vld [tilespmem:s31+$0x80]  }
0x93: {  	v12 =	vadd.f32 v14, v12;
	v10 =	vld [tilespmem:s31+$0x8080]  }
0x94: {  	v7 =	vadd.f32 v8, v7;
	v14 =	vld [tilespmem:s31+$0x90];
	[tilespmem:s30+$0x4C0] =	vst v6;
	v6 =	vmul.f32 v8, v8;
	v8 =	vsub.f32 v11, v9  }
0x95: {  	v12 =	vadd.f32 v17, v12;
	v11 =	vld [tilespmem:s31+$0x8090]  }
0x96: {  	v17 =	vld [tilespmem:s31+$0xA0];
	[tilespmem:s30+$0x4D0] =	vst v7;
	v7 =	vmul.f32 v8, v8;
	v8 =	vadd.f32 v8, v9;
	v9 =	vsub.f32 v15, v13  }
0x97: {  	v6 =	vadd.f32 v6, v12;
	v15 =	vld [tilespmem:s31+$0x80A0]  }
0x98: {  	v12 =	vsub.f32 v16, v10;
	v16 =	vld [tilespmem:s31+$0xB0];
	[tilespmem:s30+$0x4E0] =	vst v8;
	v8 =	vmul.f32 v9, v9;
	v9 =	vadd.f32 v9, v13  }
0x99: {  	v6 =	vadd.f32 v7, v6;
	v13 =	vld [tilespmem:s31+$0x80B0]  }
0x9a: {  	v7 =	vmul.f32 v12, v12;
	v10 =	vadd.f32 v12, v10;
	v12 =	vsub.f32 v14, v11;
	v14 =	vld [tilespmem:s31+$0xC0];
	[tilespmem:s30+$0x4F0] =	vst v9  }
0x9b: {  	v6 =	vadd.f32 v8, v6;
	v9 =	vld [tilespmem:s31+$0x80C0]  }
0x9c: {  	[tilespmem:s31+$0x80] =	vst v10;
	v8 =	vmul.f32 v12, v12;
	v10 =	vadd.f32 v12, v11;
	v11 =	vld [tilespmem:s31+$0xD0]  }
0x9d: {  	v6 =	vadd.f32 v7, v6;
	v7 =	vsub.f32 v17, v15;
	v12 =	vld [tilespmem:s31+$0x80D0]  }
0x9e: {  	[tilespmem:s31+$0x90] =	vst v10;
	v10 =	vsub.f32 v16, v13;
	v16 =	vld [tilespmem:s31+$0xE0]  }
0x9f: {  	v6 =	vadd.f32 v8, v6;
	v8 =	vmul.f32 v7, v7;
	v7 =	vadd.f32 v7, v15;
	v15 =	vld [tilespmem:s31+$0x80E0]  }
0xa0: {  	v17 =	vmul.f32 v10, v10;
	v10 =	vadd.f32 v10, v13;
	v13 =	vsub.f32 v14, v9;
	v14 =	vld [tilespmem:s31+$0xF0]  }
0xa1: {  	v6 =	vadd.f32 v8, v6;
	[tilespmem:s31+$0xA0] =	vst v7;
	v7 =	vld [tilespmem:s31+$0x80F0]  }
0xa2: {  	[tilespmem:s31+$0xB0] =	vst v10;
	v8 =	vmul.f32 v13, v13;
	v9 =	vadd.f32 v13, v9;
	v10 =	vsub.f32 v11, v12;
	v11 =	vld [tilespmem:s31+$0x480]  }
0xa3: {  	v6 =	vadd.f32 v17, v6;
	v13 =	vld [tilespmem:s31+$0x8480]  }
0xa4: {  	[tilespmem:s31+$0xC0] =	vst v9;
	v9 =	vmul.f32 v10, v10;
	v10 =	vadd.f32 v10, v12;
	v12 =	vsub.f32 v16, v15;
	v16 =	vld [tilespmem:s31+$0x490]  }
0xa5: {  	v3 =	vadd.f32 v5, v3;
	v6 =	vadd.f32 v8, v6;
	v17 =	vld [tilespmem:s31+$0x8490];
	[tilespmem:s30+$0x4A0] =	vst v4  }
0xa6: {  	[tilespmem:s31+$0xD0] =	vst v10;
	v4 =	vmul.f32 v12, v12;
	v5 =	vadd.f32 v12, v15;
	v8 =	vsub.f32 v14, v7;
	v10 =	vld [tilespmem:s31+$0x4A0]  }
0xa7: {  	v6 =	vadd.f32 v9, v6;
	v9 =	vld [tilespmem:s31+$0x84A0];
	[tilespmem:s30+$0x4B0] =	vst v3;
	s30 =	smov.u32 s31  }
0xa8: {  	[tilespmem:s30+$0xE0] =	vst v5;
	v5 =	vmul.f32 v8, v8;
	v7 =	vadd.f32 v8, v7;
	v8 =	vsub.f32 v11, v13;
	v11 =	vld [tilespmem:s30+$0x4B0]  }
0xa9: {  	v4 =	vadd.f32 v4, v6;
	v3 =	vld [tilespmem:s30+$0x84B0]  }
0xaa: {  	[tilespmem:s30+$0xF0] =	vst v7;
	v7 =	vmul.f32 v8, v8;
	v12 =	vadd.f32 v8, v13;
	v13 =	vsub.f32 v16, v17;
	v8 =	vld [tilespmem:s30+$0x4C0]  }
.Ltmp0:
0xab: {  	v4 =	vadd.f32 v5, v4;
	v6 =	vld [tilespmem:s30+$0x84C0];
	(pc) =	sbr.rel @p0 .LBB2_3-.Ltmp0, $4  }
0xac: {  	[tilespmem:s30+$0x480] =	vst v12;
	v14 =	vmul.f32 v13, v13;
	v5 =	vadd.f32 v13, v17;
	v13 =	vsub.f32 v10, v9;
	v10 =	vld [tilespmem:s30+$0x4D0]  }
0xad: {  	v15 =	vadd.f32 v7, v4;
	v7 =	vld [tilespmem:s30+$0x84D0]  }
0xae: {  	[tilespmem:s30+$0x490] =	vst v5;
	v12 =	vmul.f32 v13, v13;
	v4 =	vadd.f32 v13, v9;
	v5 =	vsub.f32 v11, v3;
	v11 =	vld [tilespmem:s30+$0x4E0]  }
0xaf: {  	s8 =	sadd.s32 $0x80, s8;
	s9 =	smov.u32 s2;
	v13 =	vadd.f32 v14, v15;
	v9 =	vld [tilespmem:s30+$0x84E0]  }
0xb0: {  	v14 =	vld [tilespmem:s30+$0x4F0]  }
0xb1: {  	v15 =	vld [tilespmem:s30+$0x84F0]  }
0xb2: {  	v8 =	vsub.f32 v8, v6  }
0xb3: {  	v59 =	vmul.f32 v5, v5;
	v3 =	vadd.f32 v5, v3;
	v12 =	vadd.f32 v12, v13  }
0xb4: {  	v10 =	vsub.f32 v10, v7;
	v6 =	vadd.f32 v8, v6  }
0xb5: {  	[tilespmem:s30+$0x4A0] =	vst v4;
	v61 =	vadd.f32 v59, v12;
	v11 =	vsub.f32 v11, v9  }
0xb6: {  	v8 =	vmul.f32 v8, v8;
	[tilespmem:s30+$0x4B0] =	vst v3;
	v7 =	vadd.f32 v10, v7;
	v14 =	vsub.f32 v14, v15  }
0xb7: {  	[tilespmem:s30+$0x4C0] =	vst v6;
	v60 =	vadd.f32 v11, v9  }
0xb8: {  	s0 =	sadd.s32 $0x1, s0;
	v63 =	vmul.f32 v10, v10;
	v8 =	vadd.f32 v8, v61;
	[tilespmem:s30+$0x4D0] =	vst v7;
	v62 =	vadd.f32 v14, v15  }
0xb9: {  	p0 =	sne.s32 s0, $0x4;
	[tilespmem:s30+$0x4E0] =	vst v60  }
.Ltmp1:
0xba: {  	s2 =	sadd.s32 s5, s4;
	v4 =	vmul.f32 v11, v11;
	v5 =	vadd.f32 v63, v8;
	[tilespmem:s30+$0x4F0] =	vst v62;
	(pc) =	sbr.rel @p0 .LBB2_2-.Ltmp1, $4  }
0xbb: {  	[hbm4b:s2+s6] =	stream.linear.scatter [tilespmem:s11], [sflag:$0x2], $0x8000, $0x38;
	[tilespmem:$0x10100] =	vst v63  }
0xbc: {  	v3 =	vmul.f32 v14, v14;
	v4 =	vadd.f32 v4, v5;
	_ =	swait.ge [sflag:s10], $0x8000  }
0xbd: {  	[sflag:s10] =	ssyncset.done $0x0  }
0xbe: {  	v3 =	vadd.f32 v3, v4;
	[sflag:s10] =	ssyncadd.s32 $0xFFFF8000  }
0xbf: {  	_ = 	snop  }
0xc0: {  	s0 =	rddreg [dreg:$0x6];
	s2 =	simm.s32 $0x10080;
	[tilespmem:$0x10080] =	vst v3  }
0xc1: {  	[hbm4b:s0+s6] =	stream.linear.scatter [tilespmem:s2], [sflag:$0x2], $0x80, $0x38;
	[tilespmem:$0x10100] =	vst v63  }
0xc2: {  	_ =	swait.ge [sflag:s10], $0x80  }
0xc3: {  	s30 =	rddreg [dreg:$0x8]  }
0xc4: {  	s31 =	rddreg [dreg:$0x7];
	s2 =	sadd.s32 $0x1, s30  }
0xc5: {  	p0 =	sne.s32 s2, s31  }
.Ltmp2:
0xc6: {  	_ = 	snop;
	(pc) =	sbr.rel @p0 .LBB2_1-.Ltmp2, $3  }
0xc7: {  	_ =	sdelay $0x1  }
0xc8: {  	[sflag:s10] =	ssyncset.done $0x0  }
0xc9: {  	[sflag:s10] =	ssyncadd.s32 $0xFFFFFF80  }
0xca: {  	_ =	sfence.sel $0x180000  }
0xcb: {  	[bflag:$0x0] =	sbarrier.arrive $0xFFFF  }
0xcc: {  	_ =	strace $0x90000047  }
0xcd: {  	s0 =	stileid.u32;
	[bflag:$0x2] =	sbarrier.arrive $0xFFFF  }
0xce: {  	p0 =	sne.s32 s0, $0x0;
	s0 =	rddreg [dreg:$0x5]  }
0xcf: {  	s0 =	sadd.s32 @!p0 $0x100000, s0  }
0xd0: {  	[sflag:s0] =	ssyncadd.tile.s32 @!p0 $0x1;
	_ =	shalt  }
.Lfunc_end2:
_tile_overlayer_lowered:
.L_overlay_start_2:
0xd1: {  	(tag) =	ssettag $0x2  }
0xd2: {  	s0 =	rddreg [dreg:$0x0];
	s2 =	stileid.u32  }
0xd3: {  	s1 =	rddreg [dreg:$0x1];
	p0 =	sne.s32 s2, $0x0  }
0xd4: {  	s3 =	rddreg [dreg:$0x2];
	[bflag:$0x3] =	sbarrier.arrive $0xFFFF;
	s2 =	simm.s32 @!p0 $0x1C02  }
0xd5: {  	[timem:s3], [sflag:s2] =	dma.local @!p0 [hbm:s0], s1  }
0xd6: {  	s0 =	simm.s32 @!p0 $0x2  }
0xd7: {  	_ =	swait.ge @!p0 [sflag:s0], s1  }
0xd8: {  	s1 =	ssub.s32 @!p0 $0x0, s1;
	[sflag:s0] =	ssyncset.done @!p0 $0x0  }
0xd9: {  	[sflag:s0] =	ssyncadd.s32 @!p0 s1  }
0xda: {  	[bflag:$0x3] =	sbarrier.arrive $0xFFFF  }
0xdb: {  	_ =	shalt  }

</sc_bundles>
